<compile_context>
chip_gen: v7x
topology: tpu7x:2x2x1
jax: 0.10.2.dev20260603
libtpu: 0.0.44.dev20260713+nightly
codegen_flags: <defaults>
</compile_context>

<pallas_src>
import functools

import jax
import jax.numpy as jnp
from jax import lax
from jax.experimental import pallas as pl
from jax.experimental.pallas import tpu as pltpu
from jax.experimental.pallas import tpu_sc as plsc

BATCH = 1024
LENGTH = 50
DIM = 32
BINS = DIM + DIM * DIM

NUM_CORES = 2
NUM_SUBCORES = 16
LANES = 16
STRIPES = 8
QUARTERS = 4
BINS_PER_W = BINS // QUARTERS
COLS_PER_W = BATCH // STRIPES
GROUPS = COLS_PER_W // LANES
PAIRS = LENGTH // 2


@functools.partial(
    pl.kernel,
    out_type=jax.ShapeDtypeStruct((BINS, BATCH), jnp.float32),
    mesh=plsc.VectorSubcoreMesh(core_axis_name="c", subcore_axis_name="s"),
    scratch_types=[
        pltpu.VMEM((LENGTH, COLS_PER_W), jnp.int32),
        pltpu.VMEM((BINS_PER_W, COLS_PER_W), jnp.float32),
        pltpu.SemaphoreType.DMA,
    ],
    compiler_params=pltpu.CompilerParams(
        needs_layout_passes=False, disable_bounds_checks=True
    ),
)
def _ngram_counts_sc(in_hbm, out_hbm, tok_v, cnt_v, sem_in):
    wid = lax.axis_index("s") * NUM_CORES + lax.axis_index("c")
    stripe = lax.rem(wid, STRIPES)
    quarter = lax.div(wid, STRIPES)
    col0 = stripe * COLS_PER_W
    lo = quarter * BINS_PER_W

    stage = pltpu.async_copy(in_hbm.at[:, pl.ds(col0, COLS_PER_W)], tok_v, sem_in)

    zeros = jnp.zeros((LANES,), jnp.float32)

    def _zero_body(i, carry):
        for j in range(2):
            for c in range(COLS_PER_W // LANES):
                cnt_v[i * 2 + j, pl.ds(c * LANES, LANES)] = zeros
        return carry

    lax.fori_loop(0, BINS_PER_W // 2, _zero_body, 0)
    stage.wait()

    lane = lax.iota(jnp.int32, 16)
    ones = jnp.ones((LANES,), jnp.float32)
    lo_v = jnp.full((LANES,), 0, jnp.int32) + lo
    span = jnp.full((LANES,), BINS_PER_W, jnp.uint32)
    uni_mask = lo_v < DIM

    def _scatter(bin_v, col):
        local = bin_v - lo_v
        mask = plsc.bitcast(local, jnp.uint32) < span
        plsc.addupdate_scatter(cnt_v, [local, col], ones, mask=mask)

    def _group_body(g, carry):
        coff = g * LANES
        col = coff + lane
        for p in range(PAIRS):
            a = tok_v[2 * p, pl.ds(coff, LANES)]
            b = tok_v[2 * p + 1, pl.ds(coff, LANES)]
            plsc.addupdate_scatter(cnt_v, [a, col], ones, mask=uni_mask)
            plsc.addupdate_scatter(cnt_v, [b, col], ones, mask=uni_mask)
            _scatter(DIM + a * DIM + b, col)
        return carry

    lax.fori_loop(0, GROUPS, _group_body, 0)

    pltpu.sync_copy(
        cnt_v, out_hbm.at[pl.ds(lo, BINS_PER_W), pl.ds(col0, COLS_PER_W)]
    )


def kernel(inputs):
    out_t = _ngram_counts_sc(inputs.T)
    return out_t.T

# --- scband reference (transcript-rebuilt; emitter-appended) ---
"""Pipeline reference for scband-ngram-90812788506978 (READ-ONLY COPY).

The authoritative reference and input builder live on the scoring server;
editing this copy changes nothing except your own understanding.
"""

import jax, jax.numpy as jnp
import numpy as np

INPUT_DIM = 32
MINVAL = 1
MAXVAL = 3
BATCH = 1024
LENGTH = 50


def setup_inputs(seed: int = 0) -> dict:
    key = jax.random.key(seed)
    inputs = jax.random.randint(key, (BATCH, LENGTH), 0, INPUT_DIM, dtype=jnp.int32)
    return {"inputs": inputs}


def _ngram_table(input_dim, n):
    # all input_dim**n ngrams, shape [input_dim**n, n]
    tbl = np.array(list(np.ndindex(*((input_dim,) * n))), dtype=np.int32)
    return jnp.asarray(tbl)


def reference(inputs) -> jnp.ndarray:
    input_dim, minval, maxval = INPUT_DIM, MINVAL, MAXVAL
    batch_shape = inputs.shape[:-1]
    length = inputs.shape[-1]
    ndim = inputs.ndim
    ngram_range_counts = []
    for n in range(minval, maxval):
        m = length // n
        reshaped_inputs = inputs[..., : n * m].reshape(batch_shape + (1, m, n))
        ngrams = _ngram_table(input_dim, n).reshape((1,) * (ndim - 1) + (input_dim ** n, 1, n))
        eq = (reshaped_inputs == ngrams).astype(jnp.int32)
        is_ngram = jnp.sum(eq, axis=-1) == n
        ngram_counts = jnp.sum(is_ngram.astype(jnp.float32), axis=-1)
        ngram_range_counts.append(ngram_counts)
    return jnp.concatenate(ngram_range_counts, axis=-1)

if __name__ == "__main__":
    import jax
    _d = setup_inputs()
    print(jax.jit(kernel)(*tuple(_d.values())))

</pallas_src>

<mosaic_0001>
#map = affine_map<(d0, d1) -> (0, 0)>
module attributes {stable_mosaic.version = 14 : i64} {
  func.func @_ngram_counts_sc(%arg0: i32, %arg1: i32, %arg2: memref<50x1024xi32, #tpu.memory_space<hbm>>, %arg3: memref<1056x1024xf32, #tpu.memory_space<hbm>>, %arg4: memref<50x128xi32, #tpu.memory_space<vmem>>, %arg5: memref<264x128xf32, #tpu.memory_space<vmem>>, %arg6: memref<!tpu.dma_semaphore, #tpu.memory_space<semaphore_mem>>) attributes {dimension_semantics = [#tpu.dimension_semantics<core_parallel>, #tpu.dimension_semantics<subcore_parallel>], iteration_bounds = array<i64: 2, 16>, scalar_prefetch = 0 : i64, scratch_operands = 3 : i64, tpu.core_type = #tpu.core_type<sc_vector_subcore>, window_params = [{transform_indices = #map}, {transform_indices = #map}]} {
    %mul3A = arith.constant 2 : i32
    %mul3A_0 = arith.muli %arg1, %mul3A : i32
    %add3A = arith.addi %mul3A_0, %arg0 : i32
    %rem3A = arith.constant 8 : i32
    %rem3A_1 = arith.remsi %add3A, %rem3A : i32
    %div3A = arith.constant 8 : i32
    %div3A_2 = arith.divsi %add3A, %div3A : i32
    %mul3A_3 = arith.constant 128 : i32
    %mul3A_4 = arith.muli %rem3A_1, %mul3A_3 : i32
    %mul3A_5 = arith.constant 264 : i32
    %mul3A_6 = arith.muli %div3A_2, %mul3A_5 : i32
    %dma_start3A = arith.constant 0 : i32
    %dma_start3A_7 = tpu.memref_slice %arg2[%dma_start3A, %mul3A_4] : memref<50x1024xi32, #tpu.memory_space<hbm>> -> memref<50x128xi32, #tpu.memory_space<hbm>>
    %dma_start3A_8 = arith.constant 0 : i32
    %dma_start3A_9 = tpu.memref_slice %arg2[%dma_start3A_8, %mul3A_4] : memref<50x1024xi32, #tpu.memory_space<hbm>> -> memref<50x128xi32, #tpu.memory_space<hbm>>
    tpu.enqueue_dma source(%dma_start3A_9 : memref<50x128xi32, #tpu.memory_space<hbm>>) target(%arg4 : memref<50x128xi32, #tpu.memory_space<vmem>>) target_semaphore(%arg6 : memref<!tpu.dma_semaphore, #tpu.memory_space<semaphore_mem>>)
    %broadcast_in_dim3A = arith.constant 0.000000e+00 : f32
    %broadcast_in_dim3A_10 = vector.broadcast %broadcast_in_dim3A : f32 to vector<16xf32>
    %scan3A = arith.constant 0 : i32
    %scan3A_11 = arith.constant 0 : i32
    %scan3A_12 = arith.constant 132 : i32
    %scan3A_13 = arith.addi %scan3A_11, %scan3A_12 : i32
    %scan3A_14 = arith.constant 1 : i32
    scf.for %scan3A_35 = %scan3A_11 to %scan3A_13 step %scan3A_14  : i32 {
      %mul3A_36 = arith.constant 2 : i32
      %mul3A_37 = arith.muli %scan3A_35, %mul3A_36 : i32
      %add3A_38 = arith.constant 0 : i32
      %add3A_39 = arith.addi %mul3A_37, %add3A_38 : i32
      %swap3A = arith.index_cast %add3A_39 : i32 to index
      %swap3A_40 = arith.constant 0 : index
      %swap3A_41 = tpu.vector_load %arg5[%swap3A, %swap3A_40] {strides = array<i32>} : memref<264x128xf32, #tpu.memory_space<vmem>>, vector<16xf32>,
      tpu.vector_store %arg5[%swap3A, %swap3A_40], %broadcast_in_dim3A_10 {strides = array<i32>} : memref<264x128xf32, #tpu.memory_space<vmem>>, vector<16xf32>,
      %mul3A_42 = arith.constant 2 : i32
      %mul3A_43 = arith.muli %scan3A_35, %mul3A_42 : i32
      %add3A_44 = arith.constant 0 : i32
      %add3A_45 = arith.addi %mul3A_43, %add3A_44 : i32
      %swap3A_46 = arith.index_cast %add3A_45 : i32 to index
      %swap3A_47 = arith.constant 16 : index
      %swap3A_48 = tpu.vector_load %arg5[%swap3A_46, %swap3A_47] {strides = array<i32>} : memref<264x128xf32, #tpu.memory_space<vmem>>, vector<16xf32>,
      tpu.vector_store %arg5[%swap3A_46, %swap3A_47], %broadcast_in_dim3A_10 {strides = array<i32>} : memref<264x128xf32, #tpu.memory_space<vmem>>, vector<16xf32>,
      %mul3A_49 = arith.constant 2 : i32
      %mul3A_50 = arith.muli %scan3A_35, %mul3A_49 : i32
      %add3A_51 = arith.constant 0 : i32
      %add3A_52 = arith.addi %mul3A_50, %add3A_51 : i32
      %swap3A_53 = arith.index_cast %add3A_52 : i32 to index
      %swap3A_54 = arith.constant 32 : index
      %swap3A_55 = tpu.vector_load %arg5[%swap3A_53, %swap3A_54] {strides = array<i32>} : memref<264x128xf32, #tpu.memory_space<vmem>>, vector<16xf32>,
      tpu.vector_store %arg5[%swap3A_53, %swap3A_54], %broadcast_in_dim3A_10 {strides = array<i32>} : memref<264x128xf32, #tpu.memory_space<vmem>>, vector<16xf32>,
      %mul3A_56 = arith.constant 2 : i32
      %mul3A_57 = arith.muli %scan3A_35, %mul3A_56 : i32
      %add3A_58 = arith.constant 0 : i32
      %add3A_59 = arith.addi %mul3A_57, %add3A_58 : i32
      %swap3A_60 = arith.index_cast %add3A_59 : i32 to index
      %swap3A_61 = arith.constant 48 : index
      %swap3A_62 = tpu.vector_load %arg5[%swap3A_60, %swap3A_61] {strides = array<i32>} : memref<264x128xf32, #tpu.memory_space<vmem>>, vector<16xf32>,
      tpu.vector_store %arg5[%swap3A_60, %swap3A_61], %broadcast_in_dim3A_10 {strides = array<i32>} : memref<264x128xf32, #tpu.memory_space<vmem>>, vector<16xf32>,
      %mul3A_63 = arith.constant 2 : i32
      %mul3A_64 = arith.muli %scan3A_35, %mul3A_63 : i32
      %add3A_65 = arith.constant 0 : i32
      %add3A_66 = arith.addi %mul3A_64, %add3A_65 : i32
      %swap3A_67 = arith.index_cast %add3A_66 : i32 to index
      %swap3A_68 = arith.constant 64 : index
      %swap3A_69 = tpu.vector_load %arg5[%swap3A_67, %swap3A_68] {strides = array<i32>} : memref<264x128xf32, #tpu.memory_space<vmem>>, vector<16xf32>,
      tpu.vector_store %arg5[%swap3A_67, %swap3A_68], %broadcast_in_dim3A_10 {strides = array<i32>} : memref<264x128xf32, #tpu.memory_space<vmem>>, vector<16xf32>,
      %mul3A_70 = arith.constant 2 : i32
      %mul3A_71 = arith.muli %scan3A_35, %mul3A_70 : i32
      %add3A_72 = arith.constant 0 : i32
      %add3A_73 = arith.addi %mul3A_71, %add3A_72 : i32
      %swap3A_74 = arith.index_cast %add3A_73 : i32 to index
      %swap3A_75 = arith.constant 80 : index
      %swap3A_76 = tpu.vector_load %arg5[%swap3A_74, %swap3A_75] {strides = array<i32>} : memref<264x128xf32, #tpu.memory_space<vmem>>, vector<16xf32>,
      tpu.vector_store %arg5[%swap3A_74, %swap3A_75], %broadcast_in_dim3A_10 {strides = array<i32>} : memref<264x128xf32, #tpu.memory_space<vmem>>, vector<16xf32>,
      %mul3A_77 = arith.constant 2 : i32
      %mul3A_78 = arith.muli %scan3A_35, %mul3A_77 : i32
      %add3A_79 = arith.constant 0 : i32
      %add3A_80 = arith.addi %mul3A_78, %add3A_79 : i32
      %swap3A_81 = arith.index_cast %add3A_80 : i32 to index
      %swap3A_82 = arith.constant 96 : index
      %swap3A_83 = tpu.vector_load %arg5[%swap3A_81, %swap3A_82] {strides = array<i32>} : memref<264x128xf32, #tpu.memory_space<vmem>>, vector<16xf32>,
      tpu.vector_store %arg5[%swap3A_81, %swap3A_82], %broadcast_in_dim3A_10 {strides = array<i32>} : memref<264x128xf32, #tpu.memory_space<vmem>>, vector<16xf32>,
      %mul3A_84 = arith.constant 2 : i32
      %mul3A_85 = arith.muli %scan3A_35, %mul3A_84 : i32
      %add3A_86 = arith.constant 0 : i32
      %add3A_87 = arith.addi %mul3A_85, %add3A_86 : i32
      %swap3A_88 = arith.index_cast %add3A_87 : i32 to index
      %swap3A_89 = arith.constant 112 : index
      %swap3A_90 = tpu.vector_load %arg5[%swap3A_88, %swap3A_89] {strides = array<i32>} : memref<264x128xf32, #tpu.memory_space<vmem>>, vector<16xf32>,
      tpu.vector_store %arg5[%swap3A_88, %swap3A_89], %broadcast_in_dim3A_10 {strides = array<i32>} : memref<264x128xf32, #tpu.memory_space<vmem>>, vector<16xf32>,
      %mul3A_91 = arith.constant 2 : i32
      %mul3A_92 = arith.muli %scan3A_35, %mul3A_91 : i32
      %add3A_93 = arith.constant 1 : i32
      %add3A_94 = arith.addi %mul3A_92, %add3A_93 : i32
      %swap3A_95 = arith.index_cast %add3A_94 : i32 to index
      %swap3A_96 = arith.constant 0 : index
      %swap3A_97 = tpu.vector_load %arg5[%swap3A_95, %swap3A_96] {strides = array<i32>} : memref<264x128xf32, #tpu.memory_space<vmem>>, vector<16xf32>,
      tpu.vector_store %arg5[%swap3A_95, %swap3A_96], %broadcast_in_dim3A_10 {strides = array<i32>} : memref<264x128xf32, #tpu.memory_space<vmem>>, vector<16xf32>,
      %mul3A_98 = arith.constant 2 : i32
      %mul3A_99 = arith.muli %scan3A_35, %mul3A_98 : i32
      %add3A_100 = arith.constant 1 : i32
      %add3A_101 = arith.addi %mul3A_99, %add3A_100 : i32
      %swap3A_102 = arith.index_cast %add3A_101 : i32 to index
      %swap3A_103 = arith.constant 16 : index
      %swap3A_104 = tpu.vector_load %arg5[%swap3A_102, %swap3A_103] {strides = array<i32>} : memref<264x128xf32, #tpu.memory_space<vmem>>, vector<16xf32>,
      tpu.vector_store %arg5[%swap3A_102, %swap3A_103], %broadcast_in_dim3A_10 {strides = array<i32>} : memref<264x128xf32, #tpu.memory_space<vmem>>, vector<16xf32>,
      %mul3A_105 = arith.constant 2 : i32
      %mul3A_106 = arith.muli %scan3A_35, %mul3A_105 : i32
      %add3A_107 = arith.constant 1 : i32
      %add3A_108 = arith.addi %mul3A_106, %add3A_107 : i32
      %swap3A_109 = arith.index_cast %add3A_108 : i32 to index
      %swap3A_110 = arith.constant 32 : index
      %swap3A_111 = tpu.vector_load %arg5[%swap3A_109, %swap3A_110] {strides = array<i32>} : memref<264x128xf32, #tpu.memory_space<vmem>>, vector<16xf32>,
      tpu.vector_store %arg5[%swap3A_109, %swap3A_110], %broadcast_in_dim3A_10 {strides = array<i32>} : memref<264x128xf32, #tpu.memory_space<vmem>>, vector<16xf32>,
      %mul3A_112 = arith.constant 2 : i32
      %mul3A_113 = arith.muli %scan3A_35, %mul3A_112 : i32
      %add3A_114 = arith.constant 1 : i32
      %add3A_115 = arith.addi %mul3A_113, %add3A_114 : i32
      %swap3A_116 = arith.index_cast %add3A_115 : i32 to index
      %swap3A_117 = arith.constant 48 : index
      %swap3A_118 = tpu.vector_load %arg5[%swap3A_116, %swap3A_117] {strides = array<i32>} : memref<264x128xf32, #tpu.memory_space<vmem>>, vector<16xf32>,
      tpu.vector_store %arg5[%swap3A_116, %swap3A_117], %broadcast_in_dim3A_10 {strides = array<i32>} : memref<264x128xf32, #tpu.memory_space<vmem>>, vector<16xf32>,
      %mul3A_119 = arith.constant 2 : i32
      %mul3A_120 = arith.muli %scan3A_35, %mul3A_119 : i32
      %add3A_121 = arith.constant 1 : i32
      %add3A_122 = arith.addi %mul3A_120, %add3A_121 : i32
      %swap3A_123 = arith.index_cast %add3A_122 : i32 to index
      %swap3A_124 = arith.constant 64 : index
      %swap3A_125 = tpu.vector_load %arg5[%swap3A_123, %swap3A_124] {strides = array<i32>} : memref<264x128xf32, #tpu.memory_space<vmem>>, vector<16xf32>,
      tpu.vector_store %arg5[%swap3A_123, %swap3A_124], %broadcast_in_dim3A_10 {strides = array<i32>} : memref<264x128xf32, #tpu.memory_space<vmem>>, vector<16xf32>,
      %mul3A_126 = arith.constant 2 : i32
      %mul3A_127 = arith.muli %scan3A_35, %mul3A_126 : i32
      %add3A_128 = arith.constant 1 : i32
      %add3A_129 = arith.addi %mul3A_127, %add3A_128 : i32
      %swap3A_130 = arith.index_cast %add3A_129 : i32 to index
      %swap3A_131 = arith.constant 80 : index
      %swap3A_132 = tpu.vector_load %arg5[%swap3A_130, %swap3A_131] {strides = array<i32>} : memref<264x128xf32, #tpu.memory_space<vmem>>, vector<16xf32>,
      tpu.vector_store %arg5[%swap3A_130, %swap3A_131], %broadcast_in_dim3A_10 {strides = array<i32>} : memref<264x128xf32, #tpu.memory_space<vmem>>, vector<16xf32>,
      %mul3A_133 = arith.constant 2 : i32
      %mul3A_134 = arith.muli %scan3A_35, %mul3A_133 : i32
      %add3A_135 = arith.constant 1 : i32
      %add3A_136 = arith.addi %mul3A_134, %add3A_135 : i32
      %swap3A_137 = arith.index_cast %add3A_136 : i32 to index
      %swap3A_138 = arith.constant 96 : index
      %swap3A_139 = tpu.vector_load %arg5[%swap3A_137, %swap3A_138] {strides = array<i32>} : memref<264x128xf32, #tpu.memory_space<vmem>>, vector<16xf32>,
      tpu.vector_store %arg5[%swap3A_137, %swap3A_138], %broadcast_in_dim3A_10 {strides = array<i32>} : memref<264x128xf32, #tpu.memory_space<vmem>>, vector<16xf32>,
      %mul3A_140 = arith.constant 2 : i32
      %mul3A_141 = arith.muli %scan3A_35, %mul3A_140 : i32
      %add3A_142 = arith.constant 1 : i32
      %add3A_143 = arith.addi %mul3A_141, %add3A_142 : i32
      %swap3A_144 = arith.index_cast %add3A_143 : i32 to index
      %swap3A_145 = arith.constant 112 : index
      %swap3A_146 = tpu.vector_load %arg5[%swap3A_144, %swap3A_145] {strides = array<i32>} : memref<264x128xf32, #tpu.memory_space<vmem>>, vector<16xf32>,
      tpu.vector_store %arg5[%swap3A_144, %swap3A_145], %broadcast_in_dim3A_10 {strides = array<i32>} : memref<264x128xf32, #tpu.memory_space<vmem>>, vector<16xf32>,
    }
    %scan3A_15 = arith.constant 132 : i32
    %dma_wait3A = arith.constant 0 : i32
    %dma_wait3A_16 = tpu.memref_slice %arg2[%dma_wait3A, %mul3A_4] : memref<50x1024xi32, #tpu.memory_space<hbm>> -> memref<50x128xi32, #tpu.memory_space<hbm>>
    %dma_wait3A_17 = arith.constant 0 : i32
    %dma_wait3A_18 = tpu.memref_slice %arg2[%dma_wait3A_17, %mul3A_4] : memref<50x1024xi32, #tpu.memory_space<hbm>> -> memref<50x128xi32, #tpu.memory_space<hbm>>
    tpu.wait_dma2 semaphore(%arg6 : memref<!tpu.dma_semaphore, #tpu.memory_space<semaphore_mem>>) src(%dma_wait3A_18 : memref<50x128xi32, #tpu.memory_space<hbm>>) dst(%arg4 : memref<50x128xi32, #tpu.memory_space<vmem>>)
    %iota3A = tpu.iota {dimensions = array<i32: 0>} : vector<16xi32>
    %broadcast_in_dim3A_19 = arith.constant 1.000000e+00 : f32
    %broadcast_in_dim3A_20 = vector.broadcast %broadcast_in_dim3A_19 : f32 to vector<16xf32>
    %broadcast_in_dim3A_21 = arith.constant 0 : i32
    %broadcast_in_dim3A_22 = vector.broadcast %broadcast_in_dim3A_21 : i32 to vector<16xi32>
    %add3A_23 = vector.broadcast %mul3A_6 : i32 to vector<16xi32>
    %add3A_24 = arith.addi %broadcast_in_dim3A_22, %add3A_23 : vector<16xi32>
    %broadcast_in_dim3A_25 = arith.constant 264 : i32
    %broadcast_in_dim3A_26 = vector.broadcast %broadcast_in_dim3A_25 : i32 to vector<16xi32>
    %lt3A = arith.constant 32 : i32
    %lt3A_27 = vector.broadcast %lt3A : i32 to vector<16xi32>
    %lt3A_28 = arith.cmpi slt, %add3A_24, %lt3A_27 : vector<16xi32>
    %scan3A_29 = arith.constant 0 : i32
    %scan3A_30 = arith.constant 0 : i32
    %scan3A_31 = arith.constant 8 : i32
    %scan3A_32 = arith.addi %scan3A_30, %scan3A_31 : i32
    %scan3A_33 = arith.constant 1 : i32
    scf.for %scan3A_35 = %scan3A_30 to %scan3A_32 step %scan3A_33  : i32 {
      %mul3A_36 = arith.constant 16 : i32
      %mul3A_37 = arith.muli %scan3A_35, %mul3A_36 : i32
      %add3A_38 = vector.broadcast %mul3A_37 : i32 to vector<16xi32>
      %add3A_39 = arith.addi %add3A_38, %iota3A : vector<16xi32>
      %get3A = arith.constant 0 : i32
      %get3A_40 = arith.index_cast %get3A : i32 to index
      %get3A_41 = arith.index_cast %mul3A_37 : i32 to index
      %get3A_42 = tpu.vector_load %arg4[%get3A_40, %get3A_41] {strides = array<i32>} : memref<50x128xi32, #tpu.memory_space<vmem>>, vector<16xi32>,
      %get3A_43 = arith.constant 1 : i32
      %get3A_44 = arith.index_cast %get3A_43 : i32 to index
      %get3A_45 = arith.index_cast %mul3A_37 : i32 to index
      %get3A_46 = tpu.vector_load %arg4[%get3A_44, %get3A_45] {strides = array<i32>} : memref<50x128xi32, #tpu.memory_space<vmem>>, vector<16xi32>,
      tpu.vector_store_idx %arg5[%get3A_42, %add3A_39], %broadcast_in_dim3A_20 masked %lt3A_28 {add = true} : memref<264x128xf32, #tpu.memory_space<vmem>>[vector<16xi32>, vector<16xi32>], vector<16xf32>, vector<16xi1>
      tpu.vector_store_idx %arg5[%get3A_46, %add3A_39], %broadcast_in_dim3A_20 masked %lt3A_28 {add = true} : memref<264x128xf32, #tpu.memory_space<vmem>>[vector<16xi32>, vector<16xi32>], vector<16xf32>, vector<16xi1>
      %mul3A_47 = arith.constant 32 : i32
      %mul3A_48 = vector.broadcast %mul3A_47 : i32 to vector<16xi32>
      %mul3A_49 = arith.muli %get3A_42, %mul3A_48 : vector<16xi32>
      %add3A_50 = arith.constant 32 : i32
      %add3A_51 = vector.broadcast %add3A_50 : i32 to vector<16xi32>
      %add3A_52 = arith.addi %add3A_51, %mul3A_49 : vector<16xi32>
      %add3A_53 = arith.addi %add3A_52, %get3A_46 : vector<16xi32>
      %sub3A = arith.subi %add3A_53, %add3A_24 : vector<16xi32>
      %bitcast3A = vector.bitcast %sub3A : vector<16xi32> to vector<16xi32>
      %lt3A_54 = arith.cmpi ult, %bitcast3A, %broadcast_in_dim3A_26 : vector<16xi32>
      tpu.vector_store_idx %arg5[%sub3A, %add3A_39], %broadcast_in_dim3A_20 masked %lt3A_54 {add = true} : memref<264x128xf32, #tpu.memory_space<vmem>>[vector<16xi32>, vector<16xi32>], vector<16xf32>, vector<16xi1>
      %get3A_55 = arith.constant 2 : i32
      %get3A_56 = arith.index_cast %get3A_55 : i32 to index
      %get3A_57 = arith.index_cast %mul3A_37 : i32 to index
      %get3A_58 = tpu.vector_load %arg4[%get3A_56, %get3A_57] {strides = array<i32>} : memref<50x128xi32, #tpu.memory_space<vmem>>, vector<16xi32>,
      %get3A_59 = arith.constant 3 : i32
      %get3A_60 = arith.index_cast %get3A_59 : i32 to index
      %get3A_61 = arith.index_cast %mul3A_37 : i32 to index
      %get3A_62 = tpu.vector_load %arg4[%get3A_60, %get3A_61] {strides = array<i32>} : memref<50x128xi32, #tpu.memory_space<vmem>>, vector<16xi32>,
      tpu.vector_store_idx %arg5[%get3A_58, %add3A_39], %broadcast_in_dim3A_20 masked %lt3A_28 {add = true} : memref<264x128xf32, #tpu.memory_space<vmem>>[vector<16xi32>, vector<16xi32>], vector<16xf32>, vector<16xi1>
      tpu.vector_store_idx %arg5[%get3A_62, %add3A_39], %broadcast_in_dim3A_20 masked %lt3A_28 {add = true} : memref<264x128xf32, #tpu.memory_space<vmem>>[vector<16xi32>, vector<16xi32>], vector<16xf32>, vector<16xi1>
      %mul3A_63 = arith.constant 32 : i32
      %mul3A_64 = vector.broadcast %mul3A_63 : i32 to vector<16xi32>
      %mul3A_65 = arith.muli %get3A_58, %mul3A_64 : vector<16xi32>
      %add3A_66 = arith.constant 32 : i32
      %add3A_67 = vector.broadcast %add3A_66 : i32 to vector<16xi32>
      %add3A_68 = arith.addi %add3A_67, %mul3A_65 : vector<16xi32>
      %add3A_69 = arith.addi %add3A_68, %get3A_62 : vector<16xi32>
      %sub3A_70 = arith.subi %add3A_69, %add3A_24 : vector<16xi32>
      %bitcast3A_71 = vector.bitcast %sub3A_70 : vector<16xi32> to vector<16xi32>
      %lt3A_72 = arith.cmpi ult, %bitcast3A_71, %broadcast_in_dim3A_26 : vector<16xi32>
      tpu.vector_store_idx %arg5[%sub3A_70, %add3A_39], %broadcast_in_dim3A_20 masked %lt3A_72 {add = true} : memref<264x128xf32, #tpu.memory_space<vmem>>[vector<16xi32>, vector<16xi32>], vector<16xf32>, vector<16xi1>
      %get3A_73 = arith.constant 4 : i32
      %get3A_74 = arith.index_cast %get3A_73 : i32 to index
      %get3A_75 = arith.index_cast %mul3A_37 : i32 to index
      %get3A_76 = tpu.vector_load %arg4[%get3A_74, %get3A_75] {strides = array<i32>} : memref<50x128xi32, #tpu.memory_space<vmem>>, vector<16xi32>,
      %get3A_77 = arith.constant 5 : i32
      %get3A_78 = arith.index_cast %get3A_77 : i32 to index
      %get3A_79 = arith.index_cast %mul3A_37 : i32 to index
      %get3A_80 = tpu.vector_load %arg4[%get3A_78, %get3A_79] {strides = array<i32>} : memref<50x128xi32, #tpu.memory_space<vmem>>, vector<16xi32>,
      tpu.vector_store_idx %arg5[%get3A_76, %add3A_39], %broadcast_in_dim3A_20 masked %lt3A_28 {add = true} : memref<264x128xf32, #tpu.memory_space<vmem>>[vector<16xi32>, vector<16xi32>], vector<16xf32>, vector<16xi1>
      tpu.vector_store_idx %arg5[%get3A_80, %add3A_39], %broadcast_in_dim3A_20 masked %lt3A_28 {add = true} : memref<264x128xf32, #tpu.memory_space<vmem>>[vector<16xi32>, vector<16xi32>], vector<16xf32>, vector<16xi1>
      %mul3A_81 = arith.constant 32 : i32
      %mul3A_82 = vector.broadcast %mul3A_81 : i32 to vector<16xi32>
      %mul3A_83 = arith.muli %get3A_76, %mul3A_82 : vector<16xi32>
      %add3A_84 = arith.constant 32 : i32
      %add3A_85 = vector.broadcast %add3A_84 : i32 to vector<16xi32>
      %add3A_86 = arith.addi %add3A_85, %mul3A_83 : vector<16xi32>
      %add3A_87 = arith.addi %add3A_86, %get3A_80 : vector<16xi32>
      %sub3A_88 = arith.subi %add3A_87, %add3A_24 : vector<16xi32>
      %bitcast3A_89 = vector.bitcast %sub3A_88 : vector<16xi32> to vector<16xi32>
      %lt3A_90 = arith.cmpi ult, %bitcast3A_89, %broadcast_in_dim3A_26 : vector<16xi32>
      tpu.vector_store_idx %arg5[%sub3A_88, %add3A_39], %broadcast_in_dim3A_20 masked %lt3A_90 {add = true} : memref<264x128xf32, #tpu.memory_space<vmem>>[vector<16xi32>, vector<16xi32>], vector<16xf32>, vector<16xi1>
      %get3A_91 = arith.constant 6 : i32
      %get3A_92 = arith.index_cast %get3A_91 : i32 to index
      %get3A_93 = arith.index_cast %mul3A_37 : i32 to index
      %get3A_94 = tpu.vector_load %arg4[%get3A_92, %get3A_93] {strides = array<i32>} : memref<50x128xi32, #tpu.memory_space<vmem>>, vector<16xi32>,
      %get3A_95 = arith.constant 7 : i32
      %get3A_96 = arith.index_cast %get3A_95 : i32 to index
      %get3A_97 = arith.index_cast %mul3A_37 : i32 to index
      %get3A_98 = tpu.vector_load %arg4[%get3A_96, %get3A_97] {strides = array<i32>} : memref<50x128xi32, #tpu.memory_space<vmem>>, vector<16xi32>,
      tpu.vector_store_idx %arg5[%get3A_94, %add3A_39], %broadcast_in_dim3A_20 masked %lt3A_28 {add = true} : memref<264x128xf32, #tpu.memory_space<vmem>>[vector<16xi32>, vector<16xi32>], vector<16xf32>, vector<16xi1>
      tpu.vector_store_idx %arg5[%get3A_98, %add3A_39], %broadcast_in_dim3A_20 masked %lt3A_28 {add = true} : memref<264x128xf32, #tpu.memory_space<vmem>>[vector<16xi32>, vector<16xi32>], vector<16xf32>, vector<16xi1>
      %mul3A_99 = arith.constant 32 : i32
      %mul3A_100 = vector.broadcast %mul3A_99 : i32 to vector<16xi32>
      %mul3A_101 = arith.muli %get3A_94, %mul3A_100 : vector<16xi32>
      %add3A_102 = arith.constant 32 : i32
      %add3A_103 = vector.broadcast %add3A_102 : i32 to vector<16xi32>
      %add3A_104 = arith.addi %add3A_103, %mul3A_101 : vector<16xi32>
      %add3A_105 = arith.addi %add3A_104, %get3A_98 : vector<16xi32>
      %sub3A_106 = arith.subi %add3A_105, %add3A_24 : vector<16xi32>
      %bitcast3A_107 = vector.bitcast %sub3A_106 : vector<16xi32> to vector<16xi32>
      %lt3A_108 = arith.cmpi ult, %bitcast3A_107, %broadcast_in_dim3A_26 : vector<16xi32>
      tpu.vector_store_idx %arg5[%sub3A_106, %add3A_39], %broadcast_in_dim3A_20 masked %lt3A_108 {add = true} : memref<264x128xf32, #tpu.memory_space<vmem>>[vector<16xi32>, vector<16xi32>], vector<16xf32>, vector<16xi1>
      %get3A_109 = arith.constant 8 : i32
      %get3A_110 = arith.index_cast %get3A_109 : i32 to index
      %get3A_111 = arith.index_cast %mul3A_37 : i32 to index
      %get3A_112 = tpu.vector_load %arg4[%get3A_110, %get3A_111] {strides = array<i32>} : memref<50x128xi32, #tpu.memory_space<vmem>>, vector<16xi32>,
      %get3A_113 = arith.constant 9 : i32
      %get3A_114 = arith.index_cast %get3A_113 : i32 to index
      %get3A_115 = arith.index_cast %mul3A_37 : i32 to index
      %get3A_116 = tpu.vector_load %arg4[%get3A_114, %get3A_115] {strides = array<i32>} : memref<50x128xi32, #tpu.memory_space<vmem>>, vector<16xi32>,
      tpu.vector_store_idx %arg5[%get3A_112, %add3A_39], %broadcast_in_dim3A_20 masked %lt3A_28 {add = true} : memref<264x128xf32, #tpu.memory_space<vmem>>[vector<16xi32>, vector<16xi32>], vector<16xf32>, vector<16xi1>
      tpu.vector_store_idx %arg5[%get3A_116, %add3A_39], %broadcast_in_dim3A_20 masked %lt3A_28 {add = true} : memref<264x128xf32, #tpu.memory_space<vmem>>[vector<16xi32>, vector<16xi32>], vector<16xf32>, vector<16xi1>
      %mul3A_117 = arith.constant 32 : i32
      %mul3A_118 = vector.broadcast %mul3A_117 : i32 to vector<16xi32>
      %mul3A_119 = arith.muli %get3A_112, %mul3A_118 : vector<16xi32>
      %add3A_120 = arith.constant 32 : i32
      %add3A_121 = vector.broadcast %add3A_120 : i32 to vector<16xi32>
      %add3A_122 = arith.addi %add3A_121, %mul3A_119 : vector<16xi32>
      %add3A_123 = arith.addi %add3A_122, %get3A_116 : vector<16xi32>
      %sub3A_124 = arith.subi %add3A_123, %add3A_24 : vector<16xi32>
      %bitcast3A_125 = vector.bitcast %sub3A_124 : vector<16xi32> to vector<16xi32>
      %lt3A_126 = arith.cmpi ult, %bitcast3A_125, %broadcast_in_dim3A_26 : vector<16xi32>
      tpu.vector_store_idx %arg5[%sub3A_124, %add3A_39], %broadcast_in_dim3A_20 masked %lt3A_126 {add = true} : memref<264x128xf32, #tpu.memory_space<vmem>>[vector<16xi32>, vector<16xi32>], vector<16xf32>, vector<16xi1>
      %get3A_127 = arith.constant 10 : i32
      %get3A_128 = arith.index_cast %get3A_127 : i32 to index
      %get3A_129 = arith.index_cast %mul3A_37 : i32 to index
      %get3A_130 = tpu.vector_load %arg4[%get3A_128, %get3A_129] {strides = array<i32>} : memref<50x128xi32, #tpu.memory_space<vmem>>, vector<16xi32>,
      %get3A_131 = arith.constant 11 : i32
      %get3A_132 = arith.index_cast %get3A_131 : i32 to index
      %get3A_133 = arith.index_cast %mul3A_37 : i32 to index
      %get3A_134 = tpu.vector_load %arg4[%get3A_132, %get3A_133] {strides = array<i32>} : memref<50x128xi32, #tpu.memory_space<vmem>>, vector<16xi32>,
      tpu.vector_store_idx %arg5[%get3A_130, %add3A_39], %broadcast_in_dim3A_20 masked %lt3A_28 {add = true} : memref<264x128xf32, #tpu.memory_space<vmem>>[vector<16xi32>, vector<16xi32>], vector<16xf32>, vector<16xi1>
      tpu.vector_store_idx %arg5[%get3A_134, %add3A_39], %broadcast_in_dim3A_20 masked %lt3A_28 {add = true} : memref<264x128xf32, #tpu.memory_space<vmem>>[vector<16xi32>, vector<16xi32>], vector<16xf32>, vector<16xi1>
      %mul3A_135 = arith.constant 32 : i32
      %mul3A_136 = vector.broadcast %mul3A_135 : i32 to vector<16xi32>
      %mul3A_137 = arith.muli %get3A_130, %mul3A_136 : vector<16xi32>
      %add3A_138 = arith.constant 32 : i32
      %add3A_139 = vector.broadcast %add3A_138 : i32 to vector<16xi32>
      %add3A_140 = arith.addi %add3A_139, %mul3A_137 : vector<16xi32>
      %add3A_141 = arith.addi %add3A_140, %get3A_134 : vector<16xi32>
      %sub3A_142 = arith.subi %add3A_141, %add3A_24 : vector<16xi32>
      %bitcast3A_143 = vector.bitcast %sub3A_142 : vector<16xi32> to vector<16xi32>
      %lt3A_144 = arith.cmpi ult, %bitcast3A_143, %broadcast_in_dim3A_26 : vector<16xi32>
      tpu.vector_store_idx %arg5[%sub3A_142, %add3A_39], %broadcast_in_dim3A_20 masked %lt3A_144 {add = true} : memref<264x128xf32, #tpu.memory_space<vmem>>[vector<16xi32>, vector<16xi32>], vector<16xf32>, vector<16xi1>
      %get3A_145 = arith.constant 12 : i32
      %get3A_146 = arith.index_cast %get3A_145 : i32 to index
      %get3A_147 = arith.index_cast %mul3A_37 : i32 to index
      %get3A_148 = tpu.vector_load %arg4[%get3A_146, %get3A_147] {strides = array<i32>} : memref<50x128xi32, #tpu.memory_space<vmem>>, vector<16xi32>,
      %get3A_149 = arith.constant 13 : i32
      %get3A_150 = arith.index_cast %get3A_149 : i32 to index
      %get3A_151 = arith.index_cast %mul3A_37 : i32 to index
      %get3A_152 = tpu.vector_load %arg4[%get3A_150, %get3A_151] {strides = array<i32>} : memref<50x128xi32, #tpu.memory_space<vmem>>, vector<16xi32>,
      tpu.vector_store_idx %arg5[%get3A_148, %add3A_39], %broadcast_in_dim3A_20 masked %lt3A_28 {add = true} : memref<264x128xf32, #tpu.memory_space<vmem>>[vector<16xi32>, vector<16xi32>], vector<16xf32>, vector<16xi1>
      tpu.vector_store_idx %arg5[%get3A_152, %add3A_39], %broadcast_in_dim3A_20 masked %lt3A_28 {add = true} : memref<264x128xf32, #tpu.memory_space<vmem>>[vector<16xi32>, vector<16xi32>], vector<16xf32>, vector<16xi1>
      %mul3A_153 = arith.constant 32 : i32
      %mul3A_154 = vector.broadcast %mul3A_153 : i32 to vector<16xi32>
      %mul3A_155 = arith.muli %get3A_148, %mul3A_154 : vector<16xi32>
      %add3A_156 = arith.constant 32 : i32
      %add3A_157 = vector.broadcast %add3A_156 : i32 to vector<16xi32>
      %add3A_158 = arith.addi %add3A_157, %mul3A_155 : vector<16xi32>
      %add3A_159 = arith.addi %add3A_158, %get3A_152 : vector<16xi32>
      %sub3A_160 = arith.subi %add3A_159, %add3A_24 : vector<16xi32>
      %bitcast3A_161 = vector.bitcast %sub3A_160 : vector<16xi32> to vector<16xi32>
      %lt3A_162 = arith.cmpi ult, %bitcast3A_161, %broadcast_in_dim3A_26 : vector<16xi32>
      tpu.vector_store_idx %arg5[%sub3A_160, %add3A_39], %broadcast_in_dim3A_20 masked %lt3A_162 {add = true} : memref<264x128xf32, #tpu.memory_space<vmem>>[vector<16xi32>, vector<16xi32>], vector<16xf32>, vector<16xi1>
      %get3A_163 = arith.constant 14 : i32
      %get3A_164 = arith.index_cast %get3A_163 : i32 to index
      %get3A_165 = arith.index_cast %mul3A_37 : i32 to index
      %get3A_166 = tpu.vector_load %arg4[%get3A_164, %get3A_165] {strides = array<i32>} : memref<50x128xi32, #tpu.memory_space<vmem>>, vector<16xi32>,
      %get3A_167 = arith.constant 15 : i32
      %get3A_168 = arith.index_cast %get3A_167 : i32 to index
      %get3A_169 = arith.index_cast %mul3A_37 : i32 to index
      %get3A_170 = tpu.vector_load %arg4[%get3A_168, %get3A_169] {strides = array<i32>} : memref<50x128xi32, #tpu.memory_space<vmem>>, vector<16xi32>,
      tpu.vector_store_idx %arg5[%get3A_166, %add3A_39], %broadcast_in_dim3A_20 masked %lt3A_28 {add = true} : memref<264x128xf32, #tpu.memory_space<vmem>>[vector<16xi32>, vector<16xi32>], vector<16xf32>, vector<16xi1>
      tpu.vector_store_idx %arg5[%get3A_170, %add3A_39], %broadcast_in_dim3A_20 masked %lt3A_28 {add = true} : memref<264x128xf32, #tpu.memory_space<vmem>>[vector<16xi32>, vector<16xi32>], vector<16xf32>, vector<16xi1>
      %mul3A_171 = arith.constant 32 : i32
      %mul3A_172 = vector.broadcast %mul3A_171 : i32 to vector<16xi32>
      %mul3A_173 = arith.muli %get3A_166, %mul3A_172 : vector<16xi32>
      %add3A_174 = arith.constant 32 : i32
      %add3A_175 = vector.broadcast %add3A_174 : i32 to vector<16xi32>
      %add3A_176 = arith.addi %add3A_175, %mul3A_173 : vector<16xi32>
      %add3A_177 = arith.addi %add3A_176, %get3A_170 : vector<16xi32>
      %sub3A_178 = arith.subi %add3A_177, %add3A_24 : vector<16xi32>
      %bitcast3A_179 = vector.bitcast %sub3A_178 : vector<16xi32> to vector<16xi32>
      %lt3A_180 = arith.cmpi ult, %bitcast3A_179, %broadcast_in_dim3A_26 : vector<16xi32>
      tpu.vector_store_idx %arg5[%sub3A_178, %add3A_39], %broadcast_in_dim3A_20 masked %lt3A_180 {add = true} : memref<264x128xf32, #tpu.memory_space<vmem>>[vector<16xi32>, vector<16xi32>], vector<16xf32>, vector<16xi1>
      %get3A_181 = arith.constant 16 : i32
      %get3A_182 = arith.index_cast %get3A_181 : i32 to index
      %get3A_183 = arith.index_cast %mul3A_37 : i32 to index
      %get3A_184 = tpu.vector_load %arg4[%get3A_182, %get3A_183] {strides = array<i32>} : memref<50x128xi32, #tpu.memory_space<vmem>>, vector<16xi32>,
      %get3A_185 = arith.constant 17 : i32
      %get3A_186 = arith.index_cast %get3A_185 : i32 to index
      %get3A_187 = arith.index_cast %mul3A_37 : i32 to index
      %get3A_188 = tpu.vector_load %arg4[%get3A_186, %get3A_187] {strides = array<i32>} : memref<50x128xi32, #tpu.memory_space<vmem>>, vector<16xi32>,
      tpu.vector_store_idx %arg5[%get3A_184, %add3A_39], %broadcast_in_dim3A_20 masked %lt3A_28 {add = true} : memref<264x128xf32, #tpu.memory_space<vmem>>[vector<16xi32>, vector<16xi32>], vector<16xf32>, vector<16xi1>
      tpu.vector_store_idx %arg5[%get3A_188, %add3A_39], %broadcast_in_dim3A_20 masked %lt3A_28 {add = true} : memref<264x128xf32, #tpu.memory_space<vmem>>[vector<16xi32>, vector<16xi32>], vector<16xf32>, vector<16xi1>
      %mul3A_189 = arith.constant 32 : i32
      %mul3A_190 = vector.broadcast %mul3A_189 : i32 to vector<16xi32>
      %mul3A_191 = arith.muli %get3A_184, %mul3A_190 : vector<16xi32>
      %add3A_192 = arith.constant 32 : i32
      %add3A_193 = vector.broadcast %add3A_192 : i32 to vector<16xi32>
      %add3A_194 = arith.addi %add3A_193, %mul3A_191 : vector<16xi32>
      %add3A_195 = arith.addi %add3A_194, %get3A_188 : vector<16xi32>
      %sub3A_196 = arith.subi %add3A_195, %add3A_24 : vector<16xi32>
      %bitcast3A_197 = vector.bitcast %sub3A_196 : vector<16xi32> to vector<16xi32>
      %lt3A_198 = arith.cmpi ult, %bitcast3A_197, %broadcast_in_dim3A_26 : vector<16xi32>
      tpu.vector_store_idx %arg5[%sub3A_196, %add3A_39], %broadcast_in_dim3A_20 masked %lt3A_198 {add = true} : memref<264x128xf32, #tpu.memory_space<vmem>>[vector<16xi32>, vector<16xi32>], vector<16xf32>, vector<16xi1>
      %get3A_199 = arith.constant 18 : i32
      %get3A_200 = arith.index_cast %get3A_199 : i32 to index
      %get3A_201 = arith.index_cast %mul3A_37 : i32 to index
      %get3A_202 = tpu.vector_load %arg4[%get3A_200, %get3A_201] {strides = array<i32>} : memref<50x128xi32, #tpu.memory_space<vmem>>, vector<16xi32>,
      %get3A_203 = arith.constant 19 : i32
      %get3A_204 = arith.index_cast %get3A_203 : i32 to index
      %get3A_205 = arith.index_cast %mul3A_37 : i32 to index
      %get3A_206 = tpu.vector_load %arg4[%get3A_204, %get3A_205] {strides = array<i32>} : memref<50x128xi32, #tpu.memory_space<vmem>>, vector<16xi32>,
      tpu.vector_store_idx %arg5[%get3A_202, %add3A_39], %broadcast_in_dim3A_20 masked %lt3A_28 {add = true} : memref<264x128xf32, #tpu.memory_space<vmem>>[vector<16xi32>, vector<16xi32>], vector<16xf32>, vector<16xi1>
      tpu.vector_store_idx %arg5[%get3A_206, %add3A_39], %broadcast_in_dim3A_20 masked %lt3A_28 {add = true} : memref<264x128xf32, #tpu.memory_space<vmem>>[vector<16xi32>, vector<16xi32>], vector<16xf32>, vector<16xi1>
      %mul3A_207 = arith.constant 32 : i32
      %mul3A_208 = vector.broadcast %mul3A_207 : i32 to vector<16xi32>
      %mul3A_209 = arith.muli %get3A_202, %mul3A_208 : vector<16xi32>
      %add3A_210 = arith.constant 32 : i32
      %add3A_211 = vector.broadcast %add3A_210 : i32 to vector<16xi32>
      %add3A_212 = arith.addi %add3A_211, %mul3A_209 : vector<16xi32>
      %add3A_213 = arith.addi %add3A_212, %get3A_206 : vector<16xi32>
      %sub3A_214 = arith.subi %add3A_213, %add3A_24 : vector<16xi32>
      %bitcast3A_215 = vector.bitcast %sub3A_214 : vector<16xi32> to vector<16xi32>
      %lt3A_216 = arith.cmpi ult, %bitcast3A_215, %broadcast_in_dim3A_26 : vector<16xi32>
      tpu.vector_store_idx %arg5[%sub3A_214, %add3A_39], %broadcast_in_dim3A_20 masked %lt3A_216 {add = true} : memref<264x128xf32, #tpu.memory_space<vmem>>[vector<16xi32>, vector<16xi32>], vector<16xf32>, vector<16xi1>
      %get3A_217 = arith.constant 20 : i32
      %get3A_218 = arith.index_cast %get3A_217 : i32 to index
      %get3A_219 = arith.index_cast %mul3A_37 : i32 to index
      %get3A_220 = tpu.vector_load %arg4[%get3A_218, %get3A_219] {strides = array<i32>} : memref<50x128xi32, #tpu.memory_space<vmem>>, vector<16xi32>,
      %get3A_221 = arith.constant 21 : i32
      %get3A_222 = arith.index_cast %get3A_221 : i32 to index
      %get3A_223 = arith.index_cast %mul3A_37 : i32 to index
      %get3A_224 = tpu.vector_load %arg4[%get3A_222, %get3A_223] {strides = array<i32>} : memref<50x128xi32, #tpu.memory_space<vmem>>, vector<16xi32>,
      tpu.vector_store_idx %arg5[%get3A_220, %add3A_39], %broadcast_in_dim3A_20 masked %lt3A_28 {add = true} : memref<264x128xf32, #tpu.memory_space<vmem>>[vector<16xi32>, vector<16xi32>], vector<16xf32>, vector<16xi1>
      tpu.vector_store_idx %arg5[%get3A_224, %add3A_39], %broadcast_in_dim3A_20 masked %lt3A_28 {add = true} : memref<264x128xf32, #tpu.memory_space<vmem>>[vector<16xi32>, vector<16xi32>], vector<16xf32>, vector<16xi1>
      %mul3A_225 = arith.constant 32 : i32
      %mul3A_226 = vector.broadcast %mul3A_225 : i32 to vector<16xi32>
      %mul3A_227 = arith.muli %get3A_220, %mul3A_226 : vector<16xi32>
      %add3A_228 = arith.constant 32 : i32
      %add3A_229 = vector.broadcast %add3A_228 : i32 to vector<16xi32>
      %add3A_230 = arith.addi %add3A_229, %mul3A_227 : vector<16xi32>
      %add3A_231 = arith.addi %add3A_230, %get3A_224 : vector<16xi32>
      %sub3A_232 = arith.subi %add3A_231, %add3A_24 : vector<16xi32>
      %bitcast3A_233 = vector.bitcast %sub3A_232 : vector<16xi32> to vector<16xi32>
      %lt3A_234 = arith.cmpi ult, %bitcast3A_233, %broadcast_in_dim3A_26 : vector<16xi32>
      tpu.vector_store_idx %arg5[%sub3A_232, %add3A_39], %broadcast_in_dim3A_20 masked %lt3A_234 {add = true} : memref<264x128xf32, #tpu.memory_space<vmem>>[vector<16xi32>, vector<16xi32>], vector<16xf32>, vector<16xi1>
      %get3A_235 = arith.constant 22 : i32
      %get3A_236 = arith.index_cast %get3A_235 : i32 to index
      %get3A_237 = arith.index_cast %mul3A_37 : i32 to index
      %get3A_238 = tpu.vector_load %arg4[%get3A_236, %get3A_237] {strides = array<i32>} : memref<50x128xi32, #tpu.memory_space<vmem>>, vector<16xi32>,
      %get3A_239 = arith.constant 23 : i32
      %get3A_240 = arith.index_cast %get3A_239 : i32 to index
      %get3A_241 = arith.index_cast %mul3A_37 : i32 to index
      %get3A_242 = tpu.vector_load %arg4[%get3A_240, %get3A_241] {strides = array<i32>} : memref<50x128xi32, #tpu.memory_space<vmem>>, vector<16xi32>,
      tpu.vector_store_idx %arg5[%get3A_238, %add3A_39], %broadcast_in_dim3A_20 masked %lt3A_28 {add = true} : memref<264x128xf32, #tpu.memory_space<vmem>>[vector<16xi32>, vector<16xi32>], vector<16xf32>, vector<16xi1>
      tpu.vector_store_idx %arg5[%get3A_242, %add3A_39], %broadcast_in_dim3A_20 masked %lt3A_28 {add = true} : memref<264x128xf32, #tpu.memory_space<vmem>>[vector<16xi32>, vector<16xi32>], vector<16xf32>, vector<16xi1>
      %mul3A_243 = arith.constant 32 : i32
      %mul3A_244 = vector.broadcast %mul3A_243 : i32 to vector<16xi32>
      %mul3A_245 = arith.muli %get3A_238, %mul3A_244 : vector<16xi32>
      %add3A_246 = arith.constant 32 : i32
      %add3A_247 = vector.broadcast %add3A_246 : i32 to vector<16xi32>
      %add3A_248 = arith.addi %add3A_247, %mul3A_245 : vector<16xi32>
      %add3A_249 = arith.addi %add3A_248, %get3A_242 : vector<16xi32>
      %sub3A_250 = arith.subi %add3A_249, %add3A_24 : vector<16xi32>
      %bitcast3A_251 = vector.bitcast %sub3A_250 : vector<16xi32> to vector<16xi32>
      %lt3A_252 = arith.cmpi ult, %bitcast3A_251, %broadcast_in_dim3A_26 : vector<16xi32>
      tpu.vector_store_idx %arg5[%sub3A_250, %add3A_39], %broadcast_in_dim3A_20 masked %lt3A_252 {add = true} : memref<264x128xf32, #tpu.memory_space<vmem>>[vector<16xi32>, vector<16xi32>], vector<16xf32>, vector<16xi1>
      %get3A_253 = arith.constant 24 : i32
      %get3A_254 = arith.index_cast %get3A_253 : i32 to index
      %get3A_255 = arith.index_cast %mul3A_37 : i32 to index
      %get3A_256 = tpu.vector_load %arg4[%get3A_254, %get3A_255] {strides = array<i32>} : memref<50x128xi32, #tpu.memory_space<vmem>>, vector<16xi32>,
      %get3A_257 = arith.constant 25 : i32
      %get3A_258 = arith.index_cast %get3A_257 : i32 to index
      %get3A_259 = arith.index_cast %mul3A_37 : i32 to index
      %get3A_260 = tpu.vector_load %arg4[%get3A_258, %get3A_259] {strides = array<i32>} : memref<50x128xi32, #tpu.memory_space<vmem>>, vector<16xi32>,
      tpu.vector_store_idx %arg5[%get3A_256, %add3A_39], %broadcast_in_dim3A_20 masked %lt3A_28 {add = true} : memref<264x128xf32, #tpu.memory_space<vmem>>[vector<16xi32>, vector<16xi32>], vector<16xf32>, vector<16xi1>
      tpu.vector_store_idx %arg5[%get3A_260, %add3A_39], %broadcast_in_dim3A_20 masked %lt3A_28 {add = true} : memref<264x128xf32, #tpu.memory_space<vmem>>[vector<16xi32>, vector<16xi32>], vector<16xf32>, vector<16xi1>
      %mul3A_261 = arith.constant 32 : i32
      %mul3A_262 = vector.broadcast %mul3A_261 : i32 to vector<16xi32>
      %mul3A_263 = arith.muli %get3A_256, %mul3A_262 : vector<16xi32>
      %add3A_264 = arith.constant 32 : i32
      %add3A_265 = vector.broadcast %add3A_264 : i32 to vector<16xi32>
      %add3A_266 = arith.addi %add3A_265, %mul3A_263 : vector<16xi32>
      %add3A_267 = arith.addi %add3A_266, %get3A_260 : vector<16xi32>
      %sub3A_268 = arith.subi %add3A_267, %add3A_24 : vector<16xi32>
      %bitcast3A_269 = vector.bitcast %sub3A_268 : vector<16xi32> to vector<16xi32>
      %lt3A_270 = arith.cmpi ult, %bitcast3A_269, %broadcast_in_dim3A_26 : vector<16xi32>
      tpu.vector_store_idx %arg5[%sub3A_268, %add3A_39], %broadcast_in_dim3A_20 masked %lt3A_270 {add = true} : memref<264x128xf32, #tpu.memory_space<vmem>>[vector<16xi32>, vector<16xi32>], vector<16xf32>, vector<16xi1>
      %get3A_271 = arith.constant 26 : i32
      %get3A_272 = arith.index_cast %get3A_271 : i32 to index
      %get3A_273 = arith.index_cast %mul3A_37 : i32 to index
      %get3A_274 = tpu.vector_load %arg4[%get3A_272, %get3A_273] {strides = array<i32>} : memref<50x128xi32, #tpu.memory_space<vmem>>, vector<16xi32>,
      %get3A_275 = arith.constant 27 : i32
      %get3A_276 = arith.index_cast %get3A_275 : i32 to index
      %get3A_277 = arith.index_cast %mul3A_37 : i32 to index
      %get3A_278 = tpu.vector_load %arg4[%get3A_276, %get3A_277] {strides = array<i32>} : memref<50x128xi32, #tpu.memory_space<vmem>>, vector<16xi32>,
      tpu.vector_store_idx %arg5[%get3A_274, %add3A_39], %broadcast_in_dim3A_20 masked %lt3A_28 {add = true} : memref<264x128xf32, #tpu.memory_space<vmem>>[vector<16xi32>, vector<16xi32>], vector<16xf32>, vector<16xi1>
      tpu.vector_store_idx %arg5[%get3A_278, %add3A_39], %broadcast_in_dim3A_20 masked %lt3A_28 {add = true} : memref<264x128xf32, #tpu.memory_space<vmem>>[vector<16xi32>, vector<16xi32>], vector<16xf32>, vector<16xi1>
      %mul3A_279 = arith.constant 32 : i32
      %mul3A_280 = vector.broadcast %mul3A_279 : i32 to vector<16xi32>
      %mul3A_281 = arith.muli %get3A_274, %mul3A_280 : vector<16xi32>
      %add3A_282 = arith.constant 32 : i32
      %add3A_283 = vector.broadcast %add3A_282 : i32 to vector<16xi32>
      %add3A_284 = arith.addi %add3A_283, %mul3A_281 : vector<16xi32>
      %add3A_285 = arith.addi %add3A_284, %get3A_278 : vector<16xi32>
      %sub3A_286 = arith.subi %add3A_285, %add3A_24 : vector<16xi32>
      %bitcast3A_287 = vector.bitcast %sub3A_286 : vector<16xi32> to vector<16xi32>
      %lt3A_288 = arith.cmpi ult, %bitcast3A_287, %broadcast_in_dim3A_26 : vector<16xi32>
      tpu.vector_store_idx %arg5[%sub3A_286, %add3A_39], %broadcast_in_dim3A_20 masked %lt3A_288 {add = true} : memref<264x128xf32, #tpu.memory_space<vmem>>[vector<16xi32>, vector<16xi32>], vector<16xf32>, vector<16xi1>
      %get3A_289 = arith.constant 28 : i32
      %get3A_290 = arith.index_cast %get3A_289 : i32 to index
      %get3A_291 = arith.index_cast %mul3A_37 : i32 to index
      %get3A_292 = tpu.vector_load %arg4[%get3A_290, %get3A_291] {strides = array<i32>} : memref<50x128xi32, #tpu.memory_space<vmem>>, vector<16xi32>,
      %get3A_293 = arith.constant 29 : i32
      %get3A_294 = arith.index_cast %get3A_293 : i32 to index
      %get3A_295 = arith.index_cast %mul3A_37 : i32 to index
      %get3A_296 = tpu.vector_load %arg4[%get3A_294, %get3A_295] {strides = array<i32>} : memref<50x128xi32, #tpu.memory_space<vmem>>, vector<16xi32>,
      tpu.vector_store_idx %arg5[%get3A_292, %add3A_39], %broadcast_in_dim3A_20 masked %lt3A_28 {add = true} : memref<264x128xf32, #tpu.memory_space<vmem>>[vector<16xi32>, vector<16xi32>], vector<16xf32>, vector<16xi1>
      tpu.vector_store_idx %arg5[%get3A_296, %add3A_39], %broadcast_in_dim3A_20 masked %lt3A_28 {add = true} : memref<264x128xf32, #tpu.memory_space<vmem>>[vector<16xi32>, vector<16xi32>], vector<16xf32>, vector<16xi1>
      %mul3A_297 = arith.constant 32 : i32
      %mul3A_298 = vector.broadcast %mul3A_297 : i32 to vector<16xi32>
      %mul3A_299 = arith.muli %get3A_292, %mul3A_298 : vector<16xi32>
      %add3A_300 = arith.constant 32 : i32
      %add3A_301 = vector.broadcast %add3A_300 : i32 to vector<16xi32>
      %add3A_302 = arith.addi %add3A_301, %mul3A_299 : vector<16xi32>
      %add3A_303 = arith.addi %add3A_302, %get3A_296 : vector<16xi32>
      %sub3A_304 = arith.subi %add3A_303, %add3A_24 : vector<16xi32>
      %bitcast3A_305 = vector.bitcast %sub3A_304 : vector<16xi32> to vector<16xi32>
      %lt3A_306 = arith.cmpi ult, %bitcast3A_305, %broadcast_in_dim3A_26 : vector<16xi32>
      tpu.vector_store_idx %arg5[%sub3A_304, %add3A_39], %broadcast_in_dim3A_20 masked %lt3A_306 {add = true} : memref<264x128xf32, #tpu.memory_space<vmem>>[vector<16xi32>, vector<16xi32>], vector<16xf32>, vector<16xi1>
      %get3A_307 = arith.constant 30 : i32
      %get3A_308 = arith.index_cast %get3A_307 : i32 to index
      %get3A_309 = arith.index_cast %mul3A_37 : i32 to index
      %get3A_310 = tpu.vector_load %arg4[%get3A_308, %get3A_309] {strides = array<i32>} : memref<50x128xi32, #tpu.memory_space<vmem>>, vector<16xi32>,
      %get3A_311 = arith.constant 31 : i32
      %get3A_312 = arith.index_cast %get3A_311 : i32 to index
      %get3A_313 = arith.index_cast %mul3A_37 : i32 to index
      %get3A_314 = tpu.vector_load %arg4[%get3A_312, %get3A_313] {strides = array<i32>} : memref<50x128xi32, #tpu.memory_space<vmem>>, vector<16xi32>,
      tpu.vector_store_idx %arg5[%get3A_310, %add3A_39], %broadcast_in_dim3A_20 masked %lt3A_28 {add = true} : memref<264x128xf32, #tpu.memory_space<vmem>>[vector<16xi32>, vector<16xi32>], vector<16xf32>, vector<16xi1>
      tpu.vector_store_idx %arg5[%get3A_314, %add3A_39], %broadcast_in_dim3A_20 masked %lt3A_28 {add = true} : memref<264x128xf32, #tpu.memory_space<vmem>>[vector<16xi32>, vector<16xi32>], vector<16xf32>, vector<16xi1>
      %mul3A_315 = arith.constant 32 : i32
      %mul3A_316 = vector.broadcast %mul3A_315 : i32 to vector<16xi32>
      %mul3A_317 = arith.muli %get3A_310, %mul3A_316 : vector<16xi32>
      %add3A_318 = arith.constant 32 : i32
      %add3A_319 = vector.broadcast %add3A_318 : i32 to vector<16xi32>
      %add3A_320 = arith.addi %add3A_319, %mul3A_317 : vector<16xi32>
      %add3A_321 = arith.addi %add3A_320, %get3A_314 : vector<16xi32>
      %sub3A_322 = arith.subi %add3A_321, %add3A_24 : vector<16xi32>
      %bitcast3A_323 = vector.bitcast %sub3A_322 : vector<16xi32> to vector<16xi32>
      %lt3A_324 = arith.cmpi ult, %bitcast3A_323, %broadcast_in_dim3A_26 : vector<16xi32>
      tpu.vector_store_idx %arg5[%sub3A_322, %add3A_39], %broadcast_in_dim3A_20 masked %lt3A_324 {add = true} : memref<264x128xf32, #tpu.memory_space<vmem>>[vector<16xi32>, vector<16xi32>], vector<16xf32>, vector<16xi1>
      %get3A_325 = arith.constant 32 : i32
      %get3A_326 = arith.index_cast %get3A_325 : i32 to index
      %get3A_327 = arith.index_cast %mul3A_37 : i32 to index
      %get3A_328 = tpu.vector_load %arg4[%get3A_326, %get3A_327] {strides = array<i32>} : memref<50x128xi32, #tpu.memory_space<vmem>>, vector<16xi32>,
      %get3A_329 = arith.constant 33 : i32
      %get3A_330 = arith.index_cast %get3A_329 : i32 to index
      %get3A_331 = arith.index_cast %mul3A_37 : i32 to index
      %get3A_332 = tpu.vector_load %arg4[%get3A_330, %get3A_331] {strides = array<i32>} : memref<50x128xi32, #tpu.memory_space<vmem>>, vector<16xi32>,
      tpu.vector_store_idx %arg5[%get3A_328, %add3A_39], %broadcast_in_dim3A_20 masked %lt3A_28 {add = true} : memref<264x128xf32, #tpu.memory_space<vmem>>[vector<16xi32>, vector<16xi32>], vector<16xf32>, vector<16xi1>
      tpu.vector_store_idx %arg5[%get3A_332, %add3A_39], %broadcast_in_dim3A_20 masked %lt3A_28 {add = true} : memref<264x128xf32, #tpu.memory_space<vmem>>[vector<16xi32>, vector<16xi32>], vector<16xf32>, vector<16xi1>
      %mul3A_333 = arith.constant 32 : i32
      %mul3A_334 = vector.broadcast %mul3A_333 : i32 to vector<16xi32>
      %mul3A_335 = arith.muli %get3A_328, %mul3A_334 : vector<16xi32>
      %add3A_336 = arith.constant 32 : i32
      %add3A_337 = vector.broadcast %add3A_336 : i32 to vector<16xi32>
      %add3A_338 = arith.addi %add3A_337, %mul3A_335 : vector<16xi32>
      %add3A_339 = arith.addi %add3A_338, %get3A_332 : vector<16xi32>
      %sub3A_340 = arith.subi %add3A_339, %add3A_24 : vector<16xi32>
      %bitcast3A_341 = vector.bitcast %sub3A_340 : vector<16xi32> to vector<16xi32>
      %lt3A_342 = arith.cmpi ult, %bitcast3A_341, %broadcast_in_dim3A_26 : vector<16xi32>
      tpu.vector_store_idx %arg5[%sub3A_340, %add3A_39], %broadcast_in_dim3A_20 masked %lt3A_342 {add = true} : memref<264x128xf32, #tpu.memory_space<vmem>>[vector<16xi32>, vector<16xi32>], vector<16xf32>, vector<16xi1>
      %get3A_343 = arith.constant 34 : i32
      %get3A_344 = arith.index_cast %get3A_343 : i32 to index
      %get3A_345 = arith.index_cast %mul3A_37 : i32 to index
      %get3A_346 = tpu.vector_load %arg4[%get3A_344, %get3A_345] {strides = array<i32>} : memref<50x128xi32, #tpu.memory_space<vmem>>, vector<16xi32>,
      %get3A_347 = arith.constant 35 : i32
      %get3A_348 = arith.index_cast %get3A_347 : i32 to index
      %get3A_349 = arith.index_cast %mul3A_37 : i32 to index
      %get3A_350 = tpu.vector_load %arg4[%get3A_348, %get3A_349] {strides = array<i32>} : memref<50x128xi32, #tpu.memory_space<vmem>>, vector<16xi32>,
      tpu.vector_store_idx %arg5[%get3A_346, %add3A_39], %broadcast_in_dim3A_20 masked %lt3A_28 {add = true} : memref<264x128xf32, #tpu.memory_space<vmem>>[vector<16xi32>, vector<16xi32>], vector<16xf32>, vector<16xi1>
      tpu.vector_store_idx %arg5[%get3A_350, %add3A_39], %broadcast_in_dim3A_20 masked %lt3A_28 {add = true} : memref<264x128xf32, #tpu.memory_space<vmem>>[vector<16xi32>, vector<16xi32>], vector<16xf32>, vector<16xi1>
      %mul3A_351 = arith.constant 32 : i32
      %mul3A_352 = vector.broadcast %mul3A_351 : i32 to vector<16xi32>
      %mul3A_353 = arith.muli %get3A_346, %mul3A_352 : vector<16xi32>
      %add3A_354 = arith.constant 32 : i32
      %add3A_355 = vector.broadcast %add3A_354 : i32 to vector<16xi32>
      %add3A_356 = arith.addi %add3A_355, %mul3A_353 : vector<16xi32>
      %add3A_357 = arith.addi %add3A_356, %get3A_350 : vector<16xi32>
      %sub3A_358 = arith.subi %add3A_357, %add3A_24 : vector<16xi32>
      %bitcast3A_359 = vector.bitcast %sub3A_358 : vector<16xi32> to vector<16xi32>
      %lt3A_360 = arith.cmpi ult, %bitcast3A_359, %broadcast_in_dim3A_26 : vector<16xi32>
      tpu.vector_store_idx %arg5[%sub3A_358, %add3A_39], %broadcast_in_dim3A_20 masked %lt3A_360 {add = true} : memref<264x128xf32, #tpu.memory_space<vmem>>[vector<16xi32>, vector<16xi32>], vector<16xf32>, vector<16xi1>
      %get3A_361 = arith.constant 36 : i32
      %get3A_362 = arith.index_cast %get3A_361 : i32 to index
      %get3A_363 = arith.index_cast %mul3A_37 : i32 to index
      %get3A_364 = tpu.vector_load %arg4[%get3A_362, %get3A_363] {strides = array<i32>} : memref<50x128xi32, #tpu.memory_space<vmem>>, vector<16xi32>,
      %get3A_365 = arith.constant 37 : i32
      %get3A_366 = arith.index_cast %get3A_365 : i32 to index
      %get3A_367 = arith.index_cast %mul3A_37 : i32 to index
      %get3A_368 = tpu.vector_load %arg4[%get3A_366, %get3A_367] {strides = array<i32>} : memref<50x128xi32, #tpu.memory_space<vmem>>, vector<16xi32>,
      tpu.vector_store_idx %arg5[%get3A_364, %add3A_39], %broadcast_in_dim3A_20 masked %lt3A_28 {add = true} : memref<264x128xf32, #tpu.memory_space<vmem>>[vector<16xi32>, vector<16xi32>], vector<16xf32>, vector<16xi1>
      tpu.vector_store_idx %arg5[%get3A_368, %add3A_39], %broadcast_in_dim3A_20 masked %lt3A_28 {add = true} : memref<264x128xf32, #tpu.memory_space<vmem>>[vector<16xi32>, vector<16xi32>], vector<16xf32>, vector<16xi1>
      %mul3A_369 = arith.constant 32 : i32
      %mul3A_370 = vector.broadcast %mul3A_369 : i32 to vector<16xi32>
      %mul3A_371 = arith.muli %get3A_364, %mul3A_370 : vector<16xi32>
      %add3A_372 = arith.constant 32 : i32
      %add3A_373 = vector.broadcast %add3A_372 : i32 to vector<16xi32>
      %add3A_374 = arith.addi %add3A_373, %mul3A_371 : vector<16xi32>
      %add3A_375 = arith.addi %add3A_374, %get3A_368 : vector<16xi32>
      %sub3A_376 = arith.subi %add3A_375, %add3A_24 : vector<16xi32>
      %bitcast3A_377 = vector.bitcast %sub3A_376 : vector<16xi32> to vector<16xi32>
      %lt3A_378 = arith.cmpi ult, %bitcast3A_377, %broadcast_in_dim3A_26 : vector<16xi32>
      tpu.vector_store_idx %arg5[%sub3A_376, %add3A_39], %broadcast_in_dim3A_20 masked %lt3A_378 {add = true} : memref<264x128xf32, #tpu.memory_space<vmem>>[vector<16xi32>, vector<16xi32>], vector<16xf32>, vector<16xi1>
      %get3A_379 = arith.constant 38 : i32
      %get3A_380 = arith.index_cast %get3A_379 : i32 to index
      %get3A_381 = arith.index_cast %mul3A_37 : i32 to index
      %get3A_382 = tpu.vector_load %arg4[%get3A_380, %get3A_381] {strides = array<i32>} : memref<50x128xi32, #tpu.memory_space<vmem>>, vector<16xi32>,
      %get3A_383 = arith.constant 39 : i32
      %get3A_384 = arith.index_cast %get3A_383 : i32 to index
      %get3A_385 = arith.index_cast %mul3A_37 : i32 to index
      %get3A_386 = tpu.vector_load %arg4[%get3A_384, %get3A_385] {strides = array<i32>} : memref<50x128xi32, #tpu.memory_space<vmem>>, vector<16xi32>,
      tpu.vector_store_idx %arg5[%get3A_382, %add3A_39], %broadcast_in_dim3A_20 masked %lt3A_28 {add = true} : memref<264x128xf32, #tpu.memory_space<vmem>>[vector<16xi32>, vector<16xi32>], vector<16xf32>, vector<16xi1>
      tpu.vector_store_idx %arg5[%get3A_386, %add3A_39], %broadcast_in_dim3A_20 masked %lt3A_28 {add = true} : memref<264x128xf32, #tpu.memory_space<vmem>>[vector<16xi32>, vector<16xi32>], vector<16xf32>, vector<16xi1>
      %mul3A_387 = arith.constant 32 : i32
      %mul3A_388 = vector.broadcast %mul3A_387 : i32 to vector<16xi32>
      %mul3A_389 = arith.muli %get3A_382, %mul3A_388 : vector<16xi32>
      %add3A_390 = arith.constant 32 : i32
      %add3A_391 = vector.broadcast %add3A_390 : i32 to vector<16xi32>
      %add3A_392 = arith.addi %add3A_391, %mul3A_389 : vector<16xi32>
      %add3A_393 = arith.addi %add3A_392, %get3A_386 : vector<16xi32>
      %sub3A_394 = arith.subi %add3A_393, %add3A_24 : vector<16xi32>
      %bitcast3A_395 = vector.bitcast %sub3A_394 : vector<16xi32> to vector<16xi32>
      %lt3A_396 = arith.cmpi ult, %bitcast3A_395, %broadcast_in_dim3A_26 : vector<16xi32>
      tpu.vector_store_idx %arg5[%sub3A_394, %add3A_39], %broadcast_in_dim3A_20 masked %lt3A_396 {add = true} : memref<264x128xf32, #tpu.memory_space<vmem>>[vector<16xi32>, vector<16xi32>], vector<16xf32>, vector<16xi1>
      %get3A_397 = arith.constant 40 : i32
      %get3A_398 = arith.index_cast %get3A_397 : i32 to index
      %get3A_399 = arith.index_cast %mul3A_37 : i32 to index
      %get3A_400 = tpu.vector_load %arg4[%get3A_398, %get3A_399] {strides = array<i32>} : memref<50x128xi32, #tpu.memory_space<vmem>>, vector<16xi32>,
      %get3A_401 = arith.constant 41 : i32
      %get3A_402 = arith.index_cast %get3A_401 : i32 to index
      %get3A_403 = arith.index_cast %mul3A_37 : i32 to index
      %get3A_404 = tpu.vector_load %arg4[%get3A_402, %get3A_403] {strides = array<i32>} : memref<50x128xi32, #tpu.memory_space<vmem>>, vector<16xi32>,
      tpu.vector_store_idx %arg5[%get3A_400, %add3A_39], %broadcast_in_dim3A_20 masked %lt3A_28 {add = true} : memref<264x128xf32, #tpu.memory_space<vmem>>[vector<16xi32>, vector<16xi32>], vector<16xf32>, vector<16xi1>
      tpu.vector_store_idx %arg5[%get3A_404, %add3A_39], %broadcast_in_dim3A_20 masked %lt3A_28 {add = true} : memref<264x128xf32, #tpu.memory_space<vmem>>[vector<16xi32>, vector<16xi32>], vector<16xf32>, vector<16xi1>
      %mul3A_405 = arith.constant 32 : i32
      %mul3A_406 = vector.broadcast %mul3A_405 : i32 to vector<16xi32>
      %mul3A_407 = arith.muli %get3A_400, %mul3A_406 : vector<16xi32>
      %add3A_408 = arith.constant 32 : i32
      %add3A_409 = vector.broadcast %add3A_408 : i32 to vector<16xi32>
      %add3A_410 = arith.addi %add3A_409, %mul3A_407 : vector<16xi32>
      %add3A_411 = arith.addi %add3A_410, %get3A_404 : vector<16xi32>
      %sub3A_412 = arith.subi %add3A_411, %add3A_24 : vector<16xi32>
      %bitcast3A_413 = vector.bitcast %sub3A_412 : vector<16xi32> to vector<16xi32>
      %lt3A_414 = arith.cmpi ult, %bitcast3A_413, %broadcast_in_dim3A_26 : vector<16xi32>
      tpu.vector_store_idx %arg5[%sub3A_412, %add3A_39], %broadcast_in_dim3A_20 masked %lt3A_414 {add = true} : memref<264x128xf32, #tpu.memory_space<vmem>>[vector<16xi32>, vector<16xi32>], vector<16xf32>, vector<16xi1>
      %get3A_415 = arith.constant 42 : i32
      %get3A_416 = arith.index_cast %get3A_415 : i32 to index
      %get3A_417 = arith.index_cast %mul3A_37 : i32 to index
      %get3A_418 = tpu.vector_load %arg4[%get3A_416, %get3A_417] {strides = array<i32>} : memref<50x128xi32, #tpu.memory_space<vmem>>, vector<16xi32>,
      %get3A_419 = arith.constant 43 : i32
      %get3A_420 = arith.index_cast %get3A_419 : i32 to index
      %get3A_421 = arith.index_cast %mul3A_37 : i32 to index
      %get3A_422 = tpu.vector_load %arg4[%get3A_420, %get3A_421] {strides = array<i32>} : memref<50x128xi32, #tpu.memory_space<vmem>>, vector<16xi32>,
      tpu.vector_store_idx %arg5[%get3A_418, %add3A_39], %broadcast_in_dim3A_20 masked %lt3A_28 {add = true} : memref<264x128xf32, #tpu.memory_space<vmem>>[vector<16xi32>, vector<16xi32>], vector<16xf32>, vector<16xi1>
      tpu.vector_store_idx %arg5[%get3A_422, %add3A_39], %broadcast_in_dim3A_20 masked %lt3A_28 {add = true} : memref<264x128xf32, #tpu.memory_space<vmem>>[vector<16xi32>, vector<16xi32>], vector<16xf32>, vector<16xi1>
      %mul3A_423 = arith.constant 32 : i32
      %mul3A_424 = vector.broadcast %mul3A_423 : i32 to vector<16xi32>
      %mul3A_425 = arith.muli %get3A_418, %mul3A_424 : vector<16xi32>
      %add3A_426 = arith.constant 32 : i32
      %add3A_427 = vector.broadcast %add3A_426 : i32 to vector<16xi32>
      %add3A_428 = arith.addi %add3A_427, %mul3A_425 : vector<16xi32>
      %add3A_429 = arith.addi %add3A_428, %get3A_422 : vector<16xi32>
      %sub3A_430 = arith.subi %add3A_429, %add3A_24 : vector<16xi32>
      %bitcast3A_431 = vector.bitcast %sub3A_430 : vector<16xi32> to vector<16xi32>
      %lt3A_432 = arith.cmpi ult, %bitcast3A_431, %broadcast_in_dim3A_26 : vector<16xi32>
      tpu.vector_store_idx %arg5[%sub3A_430, %add3A_39], %broadcast_in_dim3A_20 masked %lt3A_432 {add = true} : memref<264x128xf32, #tpu.memory_space<vmem>>[vector<16xi32>, vector<16xi32>], vector<16xf32>, vector<16xi1>
      %get3A_433 = arith.constant 44 : i32
      %get3A_434 = arith.index_cast %get3A_433 : i32 to index
      %get3A_435 = arith.index_cast %mul3A_37 : i32 to index
      %get3A_436 = tpu.vector_load %arg4[%get3A_434, %get3A_435] {strides = array<i32>} : memref<50x128xi32, #tpu.memory_space<vmem>>, vector<16xi32>,
      %get3A_437 = arith.constant 45 : i32
      %get3A_438 = arith.index_cast %get3A_437 : i32 to index
      %get3A_439 = arith.index_cast %mul3A_37 : i32 to index
      %get3A_440 = tpu.vector_load %arg4[%get3A_438, %get3A_439] {strides = array<i32>} : memref<50x128xi32, #tpu.memory_space<vmem>>, vector<16xi32>,
      tpu.vector_store_idx %arg5[%get3A_436, %add3A_39], %broadcast_in_dim3A_20 masked %lt3A_28 {add = true} : memref<264x128xf32, #tpu.memory_space<vmem>>[vector<16xi32>, vector<16xi32>], vector<16xf32>, vector<16xi1>
      tpu.vector_store_idx %arg5[%get3A_440, %add3A_39], %broadcast_in_dim3A_20 masked %lt3A_28 {add = true} : memref<264x128xf32, #tpu.memory_space<vmem>>[vector<16xi32>, vector<16xi32>], vector<16xf32>, vector<16xi1>
      %mul3A_441 = arith.constant 32 : i32
      %mul3A_442 = vector.broadcast %mul3A_441 : i32 to vector<16xi32>
      %mul3A_443 = arith.muli %get3A_436, %mul3A_442 : vector<16xi32>
      %add3A_444 = arith.constant 32 : i32
      %add3A_445 = vector.broadcast %add3A_444 : i32 to vector<16xi32>
      %add3A_446 = arith.addi %add3A_445, %mul3A_443 : vector<16xi32>
      %add3A_447 = arith.addi %add3A_446, %get3A_440 : vector<16xi32>
      %sub3A_448 = arith.subi %add3A_447, %add3A_24 : vector<16xi32>
      %bitcast3A_449 = vector.bitcast %sub3A_448 : vector<16xi32> to vector<16xi32>
      %lt3A_450 = arith.cmpi ult, %bitcast3A_449, %broadcast_in_dim3A_26 : vector<16xi32>
      tpu.vector_store_idx %arg5[%sub3A_448, %add3A_39], %broadcast_in_dim3A_20 masked %lt3A_450 {add = true} : memref<264x128xf32, #tpu.memory_space<vmem>>[vector<16xi32>, vector<16xi32>], vector<16xf32>, vector<16xi1>
      %get3A_451 = arith.constant 46 : i32
      %get3A_452 = arith.index_cast %get3A_451 : i32 to index
      %get3A_453 = arith.index_cast %mul3A_37 : i32 to index
      %get3A_454 = tpu.vector_load %arg4[%get3A_452, %get3A_453] {strides = array<i32>} : memref<50x128xi32, #tpu.memory_space<vmem>>, vector<16xi32>,
      %get3A_455 = arith.constant 47 : i32
      %get3A_456 = arith.index_cast %get3A_455 : i32 to index
      %get3A_457 = arith.index_cast %mul3A_37 : i32 to index
      %get3A_458 = tpu.vector_load %arg4[%get3A_456, %get3A_457] {strides = array<i32>} : memref<50x128xi32, #tpu.memory_space<vmem>>, vector<16xi32>,
      tpu.vector_store_idx %arg5[%get3A_454, %add3A_39], %broadcast_in_dim3A_20 masked %lt3A_28 {add = true} : memref<264x128xf32, #tpu.memory_space<vmem>>[vector<16xi32>, vector<16xi32>], vector<16xf32>, vector<16xi1>
      tpu.vector_store_idx %arg5[%get3A_458, %add3A_39], %broadcast_in_dim3A_20 masked %lt3A_28 {add = true} : memref<264x128xf32, #tpu.memory_space<vmem>>[vector<16xi32>, vector<16xi32>], vector<16xf32>, vector<16xi1>
      %mul3A_459 = arith.constant 32 : i32
      %mul3A_460 = vector.broadcast %mul3A_459 : i32 to vector<16xi32>
      %mul3A_461 = arith.muli %get3A_454, %mul3A_460 : vector<16xi32>
      %add3A_462 = arith.constant 32 : i32
      %add3A_463 = vector.broadcast %add3A_462 : i32 to vector<16xi32>
      %add3A_464 = arith.addi %add3A_463, %mul3A_461 : vector<16xi32>
      %add3A_465 = arith.addi %add3A_464, %get3A_458 : vector<16xi32>
      %sub3A_466 = arith.subi %add3A_465, %add3A_24 : vector<16xi32>
      %bitcast3A_467 = vector.bitcast %sub3A_466 : vector<16xi32> to vector<16xi32>
      %lt3A_468 = arith.cmpi ult, %bitcast3A_467, %broadcast_in_dim3A_26 : vector<16xi32>
      tpu.vector_store_idx %arg5[%sub3A_466, %add3A_39], %broadcast_in_dim3A_20 masked %lt3A_468 {add = true} : memref<264x128xf32, #tpu.memory_space<vmem>>[vector<16xi32>, vector<16xi32>], vector<16xf32>, vector<16xi1>
      %get3A_469 = arith.constant 48 : i32
      %get3A_470 = arith.index_cast %get3A_469 : i32 to index
      %get3A_471 = arith.index_cast %mul3A_37 : i32 to index
      %get3A_472 = tpu.vector_load %arg4[%get3A_470, %get3A_471] {strides = array<i32>} : memref<50x128xi32, #tpu.memory_space<vmem>>, vector<16xi32>,
      %get3A_473 = arith.constant 49 : i32
      %get3A_474 = arith.index_cast %get3A_473 : i32 to index
      %get3A_475 = arith.index_cast %mul3A_37 : i32 to index
      %get3A_476 = tpu.vector_load %arg4[%get3A_474, %get3A_475] {strides = array<i32>} : memref<50x128xi32, #tpu.memory_space<vmem>>, vector<16xi32>,
      tpu.vector_store_idx %arg5[%get3A_472, %add3A_39], %broadcast_in_dim3A_20 masked %lt3A_28 {add = true} : memref<264x128xf32, #tpu.memory_space<vmem>>[vector<16xi32>, vector<16xi32>], vector<16xf32>, vector<16xi1>
      tpu.vector_store_idx %arg5[%get3A_476, %add3A_39], %broadcast_in_dim3A_20 masked %lt3A_28 {add = true} : memref<264x128xf32, #tpu.memory_space<vmem>>[vector<16xi32>, vector<16xi32>], vector<16xf32>, vector<16xi1>
      %mul3A_477 = arith.constant 32 : i32
      %mul3A_478 = vector.broadcast %mul3A_477 : i32 to vector<16xi32>
      %mul3A_479 = arith.muli %get3A_472, %mul3A_478 : vector<16xi32>
      %add3A_480 = arith.constant 32 : i32
      %add3A_481 = vector.broadcast %add3A_480 : i32 to vector<16xi32>
      %add3A_482 = arith.addi %add3A_481, %mul3A_479 : vector<16xi32>
      %add3A_483 = arith.addi %add3A_482, %get3A_476 : vector<16xi32>
      %sub3A_484 = arith.subi %add3A_483, %add3A_24 : vector<16xi32>
      %bitcast3A_485 = vector.bitcast %sub3A_484 : vector<16xi32> to vector<16xi32>
      %lt3A_486 = arith.cmpi ult, %bitcast3A_485, %broadcast_in_dim3A_26 : vector<16xi32>
      tpu.vector_store_idx %arg5[%sub3A_484, %add3A_39], %broadcast_in_dim3A_20 masked %lt3A_486 {add = true} : memref<264x128xf32, #tpu.memory_space<vmem>>[vector<16xi32>, vector<16xi32>], vector<16xf32>, vector<16xi1>
    }
    %scan3A_34 = arith.constant 8 : i32
    "tpu.region"() ({
      %run_scoped3A = tpu.sem_alloc : memref<!tpu.dma_semaphore, #tpu.memory_space<semaphore_mem>>
      %dma_start3A_35 = tpu.memref_slice %arg3[%mul3A_6, %mul3A_4] : memref<1056x1024xf32, #tpu.memory_space<hbm>> -> memref<264x128xf32, #tpu.memory_space<hbm>>
      %dma_start3A_36 = tpu.memref_slice %arg3[%mul3A_6, %mul3A_4] : memref<1056x1024xf32, #tpu.memory_space<hbm>> -> memref<264x128xf32, #tpu.memory_space<hbm>>
      tpu.enqueue_dma source(%arg5 : memref<264x128xf32, #tpu.memory_space<vmem>>) target(%dma_start3A_36 : memref<264x128xf32, #tpu.memory_space<hbm>>) target_semaphore(%run_scoped3A : memref<!tpu.dma_semaphore, #tpu.memory_space<semaphore_mem>>)
      %dma_wait3A_37 = tpu.memref_slice %arg3[%mul3A_6, %mul3A_4] : memref<1056x1024xf32, #tpu.memory_space<hbm>> -> memref<264x128xf32, #tpu.memory_space<hbm>>
      %dma_wait3A_38 = tpu.memref_slice %arg3[%mul3A_6, %mul3A_4] : memref<1056x1024xf32, #tpu.memory_space<hbm>> -> memref<264x128xf32, #tpu.memory_space<hbm>>
      tpu.wait_dma2 semaphore(%run_scoped3A : memref<!tpu.dma_semaphore, #tpu.memory_space<semaphore_mem>>) src(%arg5 : memref<264x128xf32, #tpu.memory_space<vmem>>) dst(%dma_wait3A_38 : memref<264x128xf32, #tpu.memory_space<hbm>>)
      tpu.yield
    }) : () -> ()
    return
  }
}

</mosaic_0001>

<sc_bundles>
// kernel: kernel.3.cloned.1.call-start
scs
__scs_entry_jumppad:
0x0: {  	(pc) =	sbr.rel $0x88, $3  }
0x1: {  	(tag) =	ssettag $0x0;
	lr =	simm.s32 $0x1  }
0x2: {  	[smem:$0x3FA0] =	sst lr;
	_ =	strace $0xD0000000  }
0x3: {  	_ = 	snop  }
0x4: {  	_ = 	snop  }
0x5: {  	_ = 	snop  }
0x6: {  	_ = 	snop  }
0x7: {  	_ = 	snop  }
__scs_overlays_trampoline_lowered:
0x8: {  	[smem:$0x3FAF] =	sst s0  }
0x9: {  	[smem:$0x3FB0] =	sst s1  }
0xa: {  	[smem:$0x3FB1] =	sst s2  }
0xb: {  	[smem:$0x3FB2] =	sst s3  }
0xc: {  	[smem:$0x3FB3] =	sst s4  }
0xd: {  	[smem:$0x3FB4] =	sst s5  }
0xe: {  	[smem:$0x3FB5] =	sst s6  }
0xf: {  	[smem:$0x3FB6] =	sst s7  }
0x10: {  	[smem:$0x3FB7] =	sst s8  }
0x11: {  	[smem:$0x3FB8] =	sst s9;
	s0 =	simm.s32 @!p0 $0x0  }
0x12: {  	s1 =	sld [smem:$0x3F9E];
	s0 =	simm.s32 @p0 $0x1  }
0x13: {  	[smem:$0x3FB9] =	sst s0;
	s0 =	simm.s32 @!p1 $0x0  }
0x14: {  	s2 =	sld [smem:$0x3F9D];
	s0 =	simm.s32 @p1 $0x1  }
0x15: {  	[smem:$0x3FBA] =	sst s0;
	s0 =	simm.s32 @!p2 $0x0  }
0x16: {  	s3 =	sld [smem:$0x3FDB];
	s0 =	simm.s32 @p2 $0x1  }
0x17: {  	s4 =	simm.s32 $0x1BF5;
	[smem:$0x3FBC] =	sst s0  }
0x18: {  	s0 =	sld [smem:$0x3F9F];
	_ =	swait.ge [sflag:s4], $0x0  }
0x19: {  	s7 =	sld [smem:$0x3FA0]  }
0x1a: {  	s8 =	sadd.s32 $0xFFFFE003, lr  }
0x1b: {  	s9 =	sadd.s32 $0xFFFFFEF7, lr;
	s5 =	simm.s32 $0xFFFFFFFF;
	p2 =	slt.u32 s8, $0xFFFFF086  }
0x1c: {  	p1 =	slt.u32 s9, $0xF7A;
	s5 =	simm.s32 @!p2 $0x0  }
0x1d: {  	s5 =	simm.s32 @p1 $0x1;
	p0 =	seq.s32 s7, s2  }
0x1e: {  	s7 =	smul.u32 @!p0 $0xF7A, s2;
	p2 =	seq.s32 @!p0 s5, $0x0  }
0x1f: {  	s9 =	smul.u32 $0xF7A, s1;
	s8 =	simm.s32 @!p0 $0x1BF5;
	p2 =	por !p2, p0  }
0x20: {  	[sflag:s8] =	ssyncset.s32 @!p0 $0xFFFFF086;
	s6 =	sadd.s32 @!p0 s3, s7;
	s7 =	simm.s32 @!p0 $0x108  }
0x21: {  	s3 =	sadd.s32 s3, s9;
	s6 =	sadd.s32 @!p0 $0x88, s6;
	s7 =	simm.s32 @p2 $0x1082  }
0x22: {  	[simem:s7], [sflag:s8] =	dma.local @!p0 [hbm:s6], $0xF7A  }
0x23: {  	s9 =	sor.u32 $0xD0000000, s2;
	s6 =	simm.s32 $0x108;
	_ =	swait.ge @!p0 [sflag:s8], $0x0  }
0x24: {  	s3 =	sadd.s32 $0x88, s3;
	s6 =	simm.s32 @!p1 $0x1082;
	[sflag:s4] =	ssyncset.s32 $0xFFFFF086  }
0x25: {  	[simem:s6], [sflag:s4] =	dma.local [hbm:s3], $0xF7A  }
0x26: {  	[smem:$0x3FA0] =	sst s1;
	(tag) =	ssettag s2;
	_ =	strace s9  }
0x27: {  	s1 =	sld [smem:$0x3FB0]  }
0x28: {  	s2 =	sld [smem:$0x3FB1]  }
0x29: {  	s4 =	sld [smem:$0x3FB3]  }
0x2a: {  	p0 =	seq.s32 s5, $0x0;
	s5 =	sld [smem:$0x3FB4]  }
0x2b: {  	s6 =	sld [smem:$0x3FB5]  }
0x2c: {  	s7 =	sld [smem:$0x3FB6]  }
0x2d: {  	s3 =	simm.s32 $0x108;
	s8 =	sld [smem:$0x3FB7]  }
0x2e: {  	s3 =	simm.s32 @!p0 $0x1082;
	s9 =	sld [smem:$0x3FB8]  }
0x2f: {  	lr =	sadd.s32 s0, s3;
	s0 =	sld [smem:$0x3FAF]  }
0x30: {  	s3 =	sld [smem:$0x3FB2]  }
0x31: {  	[smem:$0x3FBB] =	sst s10  }
0x32: {  	s10 =	sld [smem:$0x3FB9];
	_ =	sdelay $0x3  }
0x33: {  	p0 =	seq.s32 s10, $0x1;
	s10 =	sld [smem:$0x3FBB];
	_ =	sdelay $0x3  }
0x34: {  	[smem:$0x3FBB] =	sst s10  }
0x35: {  	s10 =	sld [smem:$0x3FBA];
	_ =	sdelay $0x3  }
0x36: {  	p1 =	seq.s32 s10, $0x1;
	s10 =	sld [smem:$0x3FBB];
	_ =	sdelay $0x3  }
0x37: {  	[smem:$0x3FBB] =	sst s10  }
0x38: {  	s10 =	sld [smem:$0x3FBC]  }
0x39: {  	_ = 	snop;
	(pc) =	sbr.ind lr, $3  }
0x3a: {  	_ = 	snop  }
0x3b: {  	_ = 	snop  }
0x3c: {  	p2 =	seq.s32 s10, $0x1;
	s10 =	sld [smem:$0x3FBB]  }
0x3d: {  	_ =	shalt  }
0x3e: {  	_ =	shalt  }
0x3f: {  	_ =	shalt  }
0x40: {  	_ =	shalt  }
0x41: {  	_ =	shalt  }
0x42: {  	_ =	shalt  }
0x43: {  	_ =	shalt  }
0x44: {  	_ =	shalt  }
0x45: {  	_ =	shalt  }
0x46: {  	_ =	shalt  }
0x47: {  	_ =	shalt  }
0x48: {  	_ =	shalt  }
0x49: {  	_ =	shalt  }
0x4a: {  	_ =	shalt  }
0x4b: {  	_ =	shalt  }
0x4c: {  	_ =	shalt  }
0x4d: {  	_ =	shalt  }
0x4e: {  	_ =	shalt  }
0x4f: {  	_ =	shalt  }
0x50: {  	_ =	shalt  }
0x51: {  	_ =	shalt  }
0x52: {  	_ =	shalt  }
0x53: {  	_ =	shalt  }
0x54: {  	_ =	shalt  }
0x55: {  	_ =	shalt  }
0x56: {  	_ =	shalt  }
0x57: {  	_ =	shalt  }
0x58: {  	_ =	shalt  }
0x59: {  	_ =	shalt  }
0x5a: {  	_ =	shalt  }
0x5b: {  	_ =	shalt  }
0x5c: {  	_ =	shalt  }
0x5d: {  	_ =	shalt  }
0x5e: {  	_ =	shalt  }
0x5f: {  	_ =	shalt  }
0x60: {  	_ =	shalt  }
0x61: {  	_ =	shalt  }
0x62: {  	_ =	shalt  }
0x63: {  	_ =	shalt  }
0x64: {  	_ =	shalt  }
0x65: {  	_ =	shalt  }
0x66: {  	_ =	shalt  }
0x67: {  	_ =	shalt  }
0x68: {  	_ =	shalt  }
0x69: {  	_ =	shalt  }
0x6a: {  	_ =	shalt  }
0x6b: {  	_ =	shalt  }
0x6c: {  	_ =	shalt  }
0x6d: {  	_ =	shalt  }
0x6e: {  	_ =	shalt  }
0x6f: {  	_ =	shalt  }
0x70: {  	_ =	shalt  }
0x71: {  	_ =	shalt  }
0x72: {  	_ =	shalt  }
0x73: {  	_ =	shalt  }
0x74: {  	_ =	shalt  }
0x75: {  	_ =	shalt  }
0x76: {  	_ =	shalt  }
0x77: {  	_ =	shalt  }
0x78: {  	_ =	shalt  }
0x79: {  	_ =	shalt  }
0x7a: {  	_ =	shalt  }
0x7b: {  	_ =	shalt  }
0x7c: {  	_ =	shalt  }
0x7d: {  	_ =	shalt  }
0x7e: {  	_ =	shalt  }
0x7f: {  	_ =	shalt  }
0x80: {  	_ =	shalt  }
0x81: {  	_ =	shalt  }
0x82: {  	_ =	shalt  }
0x83: {  	_ =	shalt  }
0x84: {  	_ =	shalt  }
0x85: {  	_ =	shalt  }
0x86: {  	_ =	shalt  }
0x87: {  	_ =	shalt  }
.Lfunc_end0:
.L_simem_size_0:
called_computation_lowered:
.L_overlay_start_0:
0x88: {  	s2 =	sld [smem:$0x3FD9]  }
0x89: {  	s3 =	sld [smem:$0x3FFE];
	_ =	sdelay $0x1  }
0x8a: {  	s1 =	srdreg.scid  }
0x8b: {  	s0 =	sand.u32 $0x1, s1  }
0x8c: {  	s18 =	sshll.u32 s0, $0xA;
	s2 =	sadd.s32 s3, s2  }
0x8d: {  	s2 =	sadd.s32 s2, s18  }
0x8e: {  	[smem:$0x3FC7] =	sst s2  }
0x8f: {  	_ = 	snop  }
0x90: {  	s2 =	sld [smem:$0x3FC9]  }
0x91: {  	s19 =	sld [smem:$0x3FD0];
	(tm) =	ssettm $0x1  }
0x92: {  	s4 =	sld [smem:$0x3FFB];
	_ =	sdelay $0x3  }
0x93: {  	_ =	strace s4  }
0x94: {  	s4 =	sld [smem:$0x3FFC];
	_ =	sdelay $0x3  }
0x95: {  	_ =	strace s4  }
0x96: {  	s4 =	sld [smem:$0x3FFD];
	_ =	sdelay $0x3  }
0x97: {  	_ =	strace s4  }
0x98: {  	_ =	strace $0x8FFFFFFF  }
0x99: {  	s20 =	sld [smem:$0x3FDB];
	_ =	sdelay $0x1  }
0x9a: {  	s5 =	simm.s32 $_scs_section_size  }
0x9b: {  	s6 =	simm.s32 $_size__tile_overlayer_lowered;
	s7 =	simm.s32 $_tile_overlayer_lowered  }
0x9c: {  	s23 =	simm.s32 $0x1BFF;
	s22 =	sshll.u32 s7, $0x1;
	s4 =	sadd.s32 s5, s20  }
0x9d: {  	s8 =	simm.s32 $0x0;
	s21 =	sshll.u32 s6, $0x1;
	s6 =	sadd.s32 s22, s4  }
0x9e: {  	[timem:s8], [sflag:s23] =	dma.local [hbm:s6], s21  }
0x9f: {  	_ =	swait.ge [sflag:s23], s21  }
0xa0: {  	s5 =	ssub.s32 $0x0, s21;
	[sflag:s23] =	ssyncset.done $0x0  }
0xa1: {  	[sflag:s23] =	ssyncadd.s32 s5;
	_ =	sdelay $0x1  }
0xa2: {  	s24 =	simm.s32 $0x1B8B  }
0xa3: {  	_ =	swait.ge [sflag:s24], $0x1  }
0xa4: {  	[sflag:s24] =	ssyncset.done $0x0  }
0xa5: {  	s25 =	simm.s32 $0x1B8E;
	[sflag:s24] =	ssyncadd.s32 $0xFFFFFFFF  }
0xa6: {  	s26 =	simm.s32 $execute0_lowered;
	[smem:$0x3FD2] =	sst s25  }
0xa7: {  	s5 =	sshll.u32 s26, $0x1;
	_ =	strace $0x80000046;
	[dreg:$0x1] =	wrdreg $0xFFFFFFFF  }
0xa8: {  	s28 =	simm.s32 $_size_execute0_lowered;
	s4 =	sadd.s32 s4, s5;
	[dreg:$0x0] =	wrdreg $0x0  }
0xa9: {  	s5 =	sshll.u32 s28, $0x1;
	[dreg:$0x2] =	wrdreg s4  }
0xaa: {  	[dreg:$0x3] =	wrdreg s5  }
0xab: {  	[dreg:$0x4] =	wrdreg $0xC0  }
0xac: {  	_ =	task [dreg:s8], $0x5FFFF  }
0xad: {  	[dreg:$0x1] =	wrdreg $0xFFFFFFFF  }
0xae: {  	[dreg:$0x0] =	wrdreg $0x60  }
0xaf: {  	[dreg:$0x2] =	wrdreg s2  }
0xb0: {  	[dreg:$0x3] =	wrdreg s19  }
0xb1: {  	[dreg:$0x4] =	wrdreg $0x9  }
0xb2: {  	_ =	task.clear_ibuf [dreg:s8], $0x5FFFF;
	_ =	strace $0x90000046  }
0xb3: {  	s29 =	simm.s32 $0x9;
	_ =	strace $0x80000048  }
0xb4: {  	_ =	swait.ge [sflag:s29], $0x1  }
0xb5: {  	[sflag:s29] =	ssyncadd.s32 $0xFFFFFFFF  }
0xb6: {  	_ =	strace $0x90000048  }
0xb7: {  	_ =	sfence  }
0xb8: {  	s30 =	sld [smem:$0x0];
	_ =	sdelay $0x2  }
0xb9: {  	s31 =	sshll.u32 s1, $0xD;
	s1 =	sshrl.u32 s1, $0x2  }
0xba: {  	s3 =	sand.u32 $0x4000, s31;
	s1 =	sadd.s32 s1, s30  }
0xbb: {  	s0 =	sor.u32 s3, s0;
	s1 =	sshll.u32 s1, $0x11  }
0xbc: {  	s0 =	sor.u32 s1, s0  }
0xbd: {  	s0 =	sadd.s32 $0x8F2B, s0  }
0xbe: {  	[sflag:s0] =	ssyncadd.remote.s32 $0x1  }
0xbf: {  	_ =	sfence.sel $0xFFFF  }
0xc0: {  	[dreg:$0x0] =	wrdreg $0xFFFFFFFF;
	(pc) =	sbr.abs _section_cstart, $3  }
0xc1: {  	[dreg:$0x1] =	wrdreg $0xFFFFFFFF  }
0xc2: {  	_ =	task.clear_ibuf [dreg:s8], $0x2FFFF;
	_ =	strace $0x9FFFFFFF  }
0xc3: {  	(tm) =	ssettm $0x7FFFFFFF  }
tec
execute0_lowered:
.L_overlay_start_1:
0x0: {  	(tag) =	ssettag $0x1  }
0x1: {  	s3 =	rddreg [dreg:$0x0]  }
0x2: {  	s5 =	rddreg [dreg:$0x1]  }
0x3: {  	s0 =	rddreg [dreg:$0x2]  }
0x4: {  	s2 =	simm.s32 $0x0;
	s4 =	srdreg.scid;
	s1 =	stileid.u32  }
0x5: {  	s11 =	simm.s32 $0x1C00;
	s12 =	simm.s32 $0x2;
	s13 =	simm.s32 $0x0  }
0x6: {  	[smem:$0x7FF] =	sst s2;
	s4 =	sand.u32 $0x1, s4;
	s6 =	sshll.u32 s1, $0xB  }
0x7: {  	s7 =	sshrl.u32 s1, $0x2;
	s8 =	sshll.u32 s4, $0xA;
	s6 =	sand.u32 $0x1800, s6  }
0x8: {  	s4 =	ssub.s32 $0x2, s4;
	s30 =	smul.u32 $0x42000, s7;
	_ =	strace $0x80000047  }
0x9: {  	s7 =	smul.u32 $0x108, s7;
	s6 =	sor.u32 s8, s6;
	s9 =	sshrl.u32 s4, $0x1  }
0xa: {  	s8 =	simm.s32 $0x2000;
	s10 =	sshrl.u32 s6, $0x3;
	s6 =	sor.u32 s30, s6  }
0xb: {  	s31 =	ssub.s32 s4, s9;
	v2 =	vmov s7;
	s7 =	simm.s32 $0x400;
	s9 =	simm.s32 $0x1800  }
0xc: {  	v1 =	vimm.f32 $0.0e+00;
	v3 =	vimm.f32 $1.000000000e+00;
	s3 =	sadd.s32 s3, s10;
	s6 =	sshrl.u32 s6, $0x3;
	s10 =	simm.s32 $0x1  }
0xd: {  	v0 =	vsub.s32 $0x20, v2;
	vm0 =	vlt.u32 v2, $0x20;
	v2 =	vlaneseq.u32;
	s4 =	sadd.s32 $0x1800, s3;
	s5 =	sadd.s32 s5, s6;
	s6 =	smax.u32 s31, $0x1  }
.LBB2_1:
0xe: {  	[tilespmem:s2], [sflag:$0x1] =	stream.strided.gather [hbm4b:s3+s7], $0x1800, s8, s7, $0x38;
	[tilespmem:$0xA000] =	vst v63  }
0xf: {  	s14 =	simm.s32 $0x0;
	s15 =	simm.s32 $0x400  }
0x10: {  	[tilespmem:s9], [sflag:$0x1] =	stream.linear.gather [hbm4b:s4+s2], $0x100, $0x38;
	[tilespmem:$0xA000] =	vst v63  }
.LBB2_2:
0x11: {  	p0 =	sne.s32 s15, $0x20C00;
	[tilespmem:s14+$0x1CF0] =	vst v1  }
0x12: {  	[tilespmem:s14+$0x1C00] =	vst v1  }
0x13: {  	[tilespmem:s14+$0x1C10] =	vst v1  }
0x14: {  	[tilespmem:s14+$0x1C20] =	vst v1  }
0x15: {  	[tilespmem:s14+$0x1C30] =	vst v1  }
0x16: {  	[tilespmem:s14+$0x1C40] =	vst v1  }
0x17: {  	[tilespmem:s14+$0x1C50] =	vst v1  }
0x18: {  	[tilespmem:s14+$0x1C60] =	vst v1  }
0x19: {  	[tilespmem:s14+$0x1C70] =	vst v1  }
0x1a: {  	[tilespmem:s14+$0x1C80] =	vst v1  }
0x1b: {  	[tilespmem:s14+$0x1C90] =	vst v1  }
.Ltmp0:
0x1c: {  	[tilespmem:s14+$0x1CA0] =	vst v1;
	(pc) =	sbr.rel @p0 .LBB2_2-.Ltmp0, $4  }
0x1d: {  	[tilespmem:s14+$0x1CB0] =	vst v1  }
0x1e: {  	[tilespmem:s14+$0x1CC0] =	vst v1  }
0x1f: {  	[tilespmem:s14+$0x1CD0] =	vst v1  }
0x20: {  	[tilespmem:s14+$0x1CE0] =	vst v1;
	s14 =	sshra.s32 s15, $0x2;
	s15 =	sadd.s32 $0x400, s15  }
0x21: {  	[tilespmem:s14+$0x1CF0] =	vst v1  }
0x22: {  	[tilespmem:s14+$0x1C00] =	vst v1  }
0x23: {  	[tilespmem:s14+$0x1C10] =	vst v1  }
0x24: {  	[tilespmem:s14+$0x1C20] =	vst v1  }
0x25: {  	[tilespmem:s14+$0x1C30] =	vst v1  }
0x26: {  	[tilespmem:s14+$0x1C40] =	vst v1  }
0x27: {  	[tilespmem:s14+$0x1C50] =	vst v1  }
0x28: {  	[tilespmem:s14+$0x1C60] =	vst v1  }
0x29: {  	[tilespmem:s14+$0x1C70] =	vst v1  }
0x2a: {  	[tilespmem:s14+$0x1C80] =	vst v1  }
0x2b: {  	[tilespmem:s14+$0x1C90] =	vst v1  }
0x2c: {  	[tilespmem:s14+$0x1CA0] =	vst v1  }
0x2d: {  	[tilespmem:s14+$0x1CB0] =	vst v1  }
0x2e: {  	[tilespmem:s14+$0x1CC0] =	vst v1  }
0x2f: {  	[tilespmem:s14+$0x1CD0] =	vst v1  }
0x30: {  	[tilespmem:s14+$0x1CE0] =	vst v1  }
0x31: {  	_ =	swait.ge [sflag:s10], $0x1900  }
0x32: {  	[sflag:s10] =	ssyncset.done $0x0  }
0x33: {  	s14 =	simm.s32 $0x0;
	s15 =	simm.s32 $0xC80;
	[sflag:s10] =	ssyncadd.s32 $0xFFFFE700  }
.LBB2_4:
0x34: {  	v5 =	vld [tilespmem:s15+$0xFFFFF380];
	_ =	sdelay $0x1  }
0x35: {  	v6 =	vld [tilespmem:s15+$0xFFFFF400];
	_ =	sdelay $0x2  }
0x36: {  	v7 =	vshll.u32 v5, $0x5  }
0x37: {  	v4 =	vor.u32 s14, v2;
	v5 =	vshll.u32 v5, $0x7;
	v7 =	vadd.s32 v0, v7  }
0x38: {  	v5 =	vadd.s32 v4, v5;
	v7 =	vadd.s32 v6, v7;
	v6 =	vshll.u32 v6, $0x7  }
0x39: {  	v6 =	vadd.s32 v4, v6;
	vm1 =	vlt.u32 v7, $0x108;
	v7 =	vshll.u32 v7, $0x7  }
0x3a: {  	v7 =	vadd.s32 v4, v7;
	_ =	sdelay $0x2  }
0x3b: {  	[tilespmem:v5+s11+$0x0] =	vst.idx.add.f32.msk vm0, v3  }
0x3c: {  	[tilespmem:v6+s11+$0x0] =	vst.idx.add.f32.msk vm0, v3  }
0x3d: {  	[tilespmem:v7+s11+$0x0] =	vst.idx.add.f32.msk vm1, v3  }
0x3e: {  	v5 =	vld [tilespmem:s15+$0xFFFFF480];
	_ =	sdelay $0x1  }
0x3f: {  	v6 =	vld [tilespmem:s15+$0xFFFFF500];
	_ =	sdelay $0x2  }
0x40: {  	v40 =	vshll.u32 v5, $0x5  }
0x41: {  	v5 =	vshll.u32 v5, $0x7;
	v7 =	vadd.s32 v0, v40  }
0x42: {  	v5 =	vadd.s32 v4, v5;
	v7 =	vadd.s32 v6, v7;
	v6 =	vshll.u32 v6, $0x7  }
0x43: {  	v6 =	vadd.s32 v4, v6;
	vm1 =	vlt.u32 v7, $0x108;
	v7 =	vshll.u32 v7, $0x7  }
0x44: {  	v7 =	vadd.s32 v4, v7;
	_ =	sdelay $0x2  }
0x45: {  	[tilespmem:v5+s11+$0x0] =	vst.idx.add.f32.msk vm0, v3  }
0x46: {  	[tilespmem:v6+s11+$0x0] =	vst.idx.add.f32.msk vm0, v3  }
0x47: {  	[tilespmem:v7+s11+$0x0] =	vst.idx.add.f32.msk vm1, v3  }
0x48: {  	v5 =	vld [tilespmem:s15+$0xFFFFF580];
	_ =	sdelay $0x1  }
0x49: {  	v6 =	vld [tilespmem:s15+$0xFFFFF600];
	_ =	sdelay $0x2  }
0x4a: {  	v41 =	vshll.u32 v5, $0x5  }
0x4b: {  	v5 =	vshll.u32 v5, $0x7;
	v7 =	vadd.s32 v0, v41  }
0x4c: {  	v5 =	vadd.s32 v4, v5;
	v7 =	vadd.s32 v6, v7;
	v6 =	vshll.u32 v6, $0x7  }
0x4d: {  	v6 =	vadd.s32 v4, v6;
	vm1 =	vlt.u32 v7, $0x108;
	v7 =	vshll.u32 v7, $0x7  }
0x4e: {  	v7 =	vadd.s32 v4, v7;
	_ =	sdelay $0x2  }
0x4f: {  	[tilespmem:v5+s11+$0x0] =	vst.idx.add.f32.msk vm0, v3  }
0x50: {  	[tilespmem:v6+s11+$0x0] =	vst.idx.add.f32.msk vm0, v3  }
0x51: {  	[tilespmem:v7+s11+$0x0] =	vst.idx.add.f32.msk vm1, v3  }
0x52: {  	v5 =	vld [tilespmem:s15+$0xFFFFF680];
	_ =	sdelay $0x1  }
0x53: {  	v6 =	vld [tilespmem:s15+$0xFFFFF700];
	_ =	sdelay $0x2  }
0x54: {  	v42 =	vshll.u32 v5, $0x5  }
0x55: {  	v5 =	vshll.u32 v5, $0x7;
	v7 =	vadd.s32 v0, v42  }
0x56: {  	v5 =	vadd.s32 v4, v5;
	v7 =	vadd.s32 v6, v7;
	v6 =	vshll.u32 v6, $0x7  }
0x57: {  	v6 =	vadd.s32 v4, v6;
	vm1 =	vlt.u32 v7, $0x108;
	v7 =	vshll.u32 v7, $0x7  }
0x58: {  	v7 =	vadd.s32 v4, v7;
	_ =	sdelay $0x2  }
0x59: {  	[tilespmem:v5+s11+$0x0] =	vst.idx.add.f32.msk vm0, v3  }
0x5a: {  	[tilespmem:v6+s11+$0x0] =	vst.idx.add.f32.msk vm0, v3  }
0x5b: {  	[tilespmem:v7+s11+$0x0] =	vst.idx.add.f32.msk vm1, v3  }
0x5c: {  	v5 =	vld [tilespmem:s15+$0xFFFFF780];
	_ =	sdelay $0x1  }
0x5d: {  	v6 =	vld [tilespmem:s15+$0xFFFFF800];
	_ =	sdelay $0x2  }
0x5e: {  	v43 =	vshll.u32 v5, $0x5  }
0x5f: {  	v5 =	vshll.u32 v5, $0x7;
	v7 =	vadd.s32 v0, v43  }
0x60: {  	v5 =	vadd.s32 v4, v5;
	v7 =	vadd.s32 v6, v7;
	v6 =	vshll.u32 v6, $0x7  }
0x61: {  	v6 =	vadd.s32 v4, v6;
	vm1 =	vlt.u32 v7, $0x108;
	v7 =	vshll.u32 v7, $0x7  }
0x62: {  	v7 =	vadd.s32 v4, v7;
	_ =	sdelay $0x2  }
0x63: {  	[tilespmem:v5+s11+$0x0] =	vst.idx.add.f32.msk vm0, v3  }
0x64: {  	[tilespmem:v6+s11+$0x0] =	vst.idx.add.f32.msk vm0, v3  }
0x65: {  	[tilespmem:v7+s11+$0x0] =	vst.idx.add.f32.msk vm1, v3  }
0x66: {  	v5 =	vld [tilespmem:s15+$0xFFFFF880];
	_ =	sdelay $0x1  }
0x67: {  	v6 =	vld [tilespmem:s15+$0xFFFFF900];
	_ =	sdelay $0x2  }
0x68: {  	v44 =	vshll.u32 v5, $0x5  }
0x69: {  	v5 =	vshll.u32 v5, $0x7;
	v7 =	vadd.s32 v0, v44  }
0x6a: {  	v5 =	vadd.s32 v4, v5;
	v7 =	vadd.s32 v6, v7;
	v6 =	vshll.u32 v6, $0x7  }
0x6b: {  	v6 =	vadd.s32 v4, v6;
	vm1 =	vlt.u32 v7, $0x108;
	v7 =	vshll.u32 v7, $0x7  }
0x6c: {  	v7 =	vadd.s32 v4, v7;
	_ =	sdelay $0x2  }
0x6d: {  	[tilespmem:v5+s11+$0x0] =	vst.idx.add.f32.msk vm0, v3  }
0x6e: {  	[tilespmem:v6+s11+$0x0] =	vst.idx.add.f32.msk vm0, v3  }
0x6f: {  	[tilespmem:v7+s11+$0x0] =	vst.idx.add.f32.msk vm1, v3  }
0x70: {  	v5 =	vld [tilespmem:s15+$0xFFFFF980];
	_ =	sdelay $0x1  }
0x71: {  	v6 =	vld [tilespmem:s15+$0xFFFFFA00];
	_ =	sdelay $0x2  }
0x72: {  	v45 =	vshll.u32 v5, $0x5  }
0x73: {  	v5 =	vshll.u32 v5, $0x7;
	v7 =	vadd.s32 v0, v45  }
0x74: {  	v5 =	vadd.s32 v4, v5;
	v7 =	vadd.s32 v6, v7;
	v6 =	vshll.u32 v6, $0x7  }
0x75: {  	v6 =	vadd.s32 v4, v6;
	vm1 =	vlt.u32 v7, $0x108;
	v7 =	vshll.u32 v7, $0x7  }
0x76: {  	v7 =	vadd.s32 v4, v7;
	_ =	sdelay $0x2  }
0x77: {  	[tilespmem:v5+s11+$0x0] =	vst.idx.add.f32.msk vm0, v3  }
0x78: {  	[tilespmem:v6+s11+$0x0] =	vst.idx.add.f32.msk vm0, v3  }
0x79: {  	[tilespmem:v7+s11+$0x0] =	vst.idx.add.f32.msk vm1, v3  }
0x7a: {  	v5 =	vld [tilespmem:s15+$0xFFFFFA80];
	_ =	sdelay $0x1  }
0x7b: {  	v6 =	vld [tilespmem:s15+$0xFFFFFB00];
	_ =	sdelay $0x2  }
0x7c: {  	v46 =	vshll.u32 v5, $0x5  }
0x7d: {  	v5 =	vshll.u32 v5, $0x7;
	v7 =	vadd.s32 v0, v46  }
0x7e: {  	v5 =	vadd.s32 v4, v5;
	v7 =	vadd.s32 v6, v7;
	v6 =	vshll.u32 v6, $0x7  }
0x7f: {  	v6 =	vadd.s32 v4, v6;
	vm1 =	vlt.u32 v7, $0x108;
	v7 =	vshll.u32 v7, $0x7  }
0x80: {  	v7 =	vadd.s32 v4, v7;
	_ =	sdelay $0x2  }
0x81: {  	[tilespmem:v5+s11+$0x0] =	vst.idx.add.f32.msk vm0, v3  }
0x82: {  	[tilespmem:v6+s11+$0x0] =	vst.idx.add.f32.msk vm0, v3  }
0x83: {  	[tilespmem:v7+s11+$0x0] =	vst.idx.add.f32.msk vm1, v3  }
0x84: {  	v5 =	vld [tilespmem:s15+$0xFFFFFB80];
	_ =	sdelay $0x1  }
0x85: {  	v6 =	vld [tilespmem:s15+$0xFFFFFC00];
	_ =	sdelay $0x2  }
0x86: {  	v47 =	vshll.u32 v5, $0x5  }
0x87: {  	v5 =	vshll.u32 v5, $0x7;
	v7 =	vadd.s32 v0, v47  }
0x88: {  	v5 =	vadd.s32 v4, v5;
	v7 =	vadd.s32 v6, v7;
	v6 =	vshll.u32 v6, $0x7  }
0x89: {  	v6 =	vadd.s32 v4, v6;
	vm1 =	vlt.u32 v7, $0x108;
	v7 =	vshll.u32 v7, $0x7  }
0x8a: {  	v7 =	vadd.s32 v4, v7;
	_ =	sdelay $0x2  }
0x8b: {  	[tilespmem:v5+s11+$0x0] =	vst.idx.add.f32.msk vm0, v3  }
0x8c: {  	[tilespmem:v6+s11+$0x0] =	vst.idx.add.f32.msk vm0, v3  }
0x8d: {  	[tilespmem:v7+s11+$0x0] =	vst.idx.add.f32.msk vm1, v3  }
0x8e: {  	v5 =	vld [tilespmem:s15+$0xFFFFFC80];
	_ =	sdelay $0x1  }
0x8f: {  	v6 =	vld [tilespmem:s15+$0xFFFFFD00];
	_ =	sdelay $0x2  }
0x90: {  	v48 =	vshll.u32 v5, $0x5  }
0x91: {  	v5 =	vshll.u32 v5, $0x7;
	v7 =	vadd.s32 v0, v48  }
0x92: {  	v5 =	vadd.s32 v4, v5;
	v7 =	vadd.s32 v6, v7;
	v6 =	vshll.u32 v6, $0x7  }
0x93: {  	v6 =	vadd.s32 v4, v6;
	vm1 =	vlt.u32 v7, $0x108;
	v7 =	vshll.u32 v7, $0x7  }
0x94: {  	v7 =	vadd.s32 v4, v7;
	_ =	sdelay $0x2  }
0x95: {  	[tilespmem:v5+s11+$0x0] =	vst.idx.add.f32.msk vm0, v3  }
0x96: {  	[tilespmem:v6+s11+$0x0] =	vst.idx.add.f32.msk vm0, v3  }
0x97: {  	[tilespmem:v7+s11+$0x0] =	vst.idx.add.f32.msk vm1, v3  }
0x98: {  	v5 =	vld [tilespmem:s15+$0xFFFFFD80];
	_ =	sdelay $0x1  }
0x99: {  	v6 =	vld [tilespmem:s15+$0xFFFFFE00];
	_ =	sdelay $0x2  }
0x9a: {  	v49 =	vshll.u32 v5, $0x5  }
0x9b: {  	v5 =	vshll.u32 v5, $0x7;
	v7 =	vadd.s32 v0, v49  }
0x9c: {  	v5 =	vadd.s32 v4, v5;
	v7 =	vadd.s32 v6, v7;
	v6 =	vshll.u32 v6, $0x7  }
0x9d: {  	v6 =	vadd.s32 v4, v6;
	vm1 =	vlt.u32 v7, $0x108;
	v7 =	vshll.u32 v7, $0x7  }
0x9e: {  	v7 =	vadd.s32 v4, v7;
	_ =	sdelay $0x2  }
0x9f: {  	[tilespmem:v5+s11+$0x0] =	vst.idx.add.f32.msk vm0, v3  }
0xa0: {  	[tilespmem:v6+s11+$0x0] =	vst.idx.add.f32.msk vm0, v3  }
0xa1: {  	[tilespmem:v7+s11+$0x0] =	vst.idx.add.f32.msk vm1, v3  }
0xa2: {  	v5 =	vld [tilespmem:s15+$0xFFFFFE80];
	_ =	sdelay $0x1  }
0xa3: {  	v6 =	vld [tilespmem:s15+$0xFFFFFF00];
	_ =	sdelay $0x2  }
0xa4: {  	v50 =	vshll.u32 v5, $0x5  }
0xa5: {  	v5 =	vshll.u32 v5, $0x7;
	v7 =	vadd.s32 v0, v50  }
0xa6: {  	v5 =	vadd.s32 v4, v5;
	v7 =	vadd.s32 v6, v7;
	v6 =	vshll.u32 v6, $0x7  }
0xa7: {  	v6 =	vadd.s32 v4, v6;
	vm1 =	vlt.u32 v7, $0x108;
	v7 =	vshll.u32 v7, $0x7  }
0xa8: {  	v7 =	vadd.s32 v4, v7;
	_ =	sdelay $0x2  }
0xa9: {  	[tilespmem:v5+s11+$0x0] =	vst.idx.add.f32.msk vm0, v3  }
0xaa: {  	[tilespmem:v6+s11+$0x0] =	vst.idx.add.f32.msk vm0, v3  }
0xab: {  	[tilespmem:v7+s11+$0x0] =	vst.idx.add.f32.msk vm1, v3  }
0xac: {  	v5 =	vld [tilespmem:s15+$0xFFFFFF80];
	_ =	sdelay $0x1  }
0xad: {  	v6 =	vld [tilespmem:s15+$0x0];
	_ =	sdelay $0x2  }
0xae: {  	v51 =	vshll.u32 v5, $0x5  }
0xaf: {  	v5 =	vshll.u32 v5, $0x7;
	v7 =	vadd.s32 v0, v51  }
0xb0: {  	v5 =	vadd.s32 v4, v5;
	v7 =	vadd.s32 v6, v7;
	v6 =	vshll.u32 v6, $0x7  }
0xb1: {  	v6 =	vadd.s32 v4, v6;
	vm1 =	vlt.u32 v7, $0x108;
	v7 =	vshll.u32 v7, $0x7  }
0xb2: {  	v7 =	vadd.s32 v4, v7;
	_ =	sdelay $0x2  }
0xb3: {  	[tilespmem:v5+s11+$0x0] =	vst.idx.add.f32.msk vm0, v3  }
0xb4: {  	[tilespmem:v6+s11+$0x0] =	vst.idx.add.f32.msk vm0, v3  }
0xb5: {  	[tilespmem:v7+s11+$0x0] =	vst.idx.add.f32.msk vm1, v3  }
0xb6: {  	v5 =	vld [tilespmem:s15+$0x80];
	_ =	sdelay $0x1  }
0xb7: {  	v6 =	vld [tilespmem:s15+$0x100];
	_ =	sdelay $0x2  }
0xb8: {  	v52 =	vshll.u32 v5, $0x5  }
0xb9: {  	v5 =	vshll.u32 v5, $0x7;
	v7 =	vadd.s32 v0, v52  }
0xba: {  	v5 =	vadd.s32 v4, v5;
	v7 =	vadd.s32 v6, v7;
	v6 =	vshll.u32 v6, $0x7  }
0xbb: {  	v6 =	vadd.s32 v4, v6;
	vm1 =	vlt.u32 v7, $0x108;
	v7 =	vshll.u32 v7, $0x7  }
0xbc: {  	v7 =	vadd.s32 v4, v7;
	_ =	sdelay $0x2  }
0xbd: {  	[tilespmem:v5+s11+$0x0] =	vst.idx.add.f32.msk vm0, v3  }
0xbe: {  	[tilespmem:v6+s11+$0x0] =	vst.idx.add.f32.msk vm0, v3  }
0xbf: {  	[tilespmem:v7+s11+$0x0] =	vst.idx.add.f32.msk vm1, v3  }
0xc0: {  	v5 =	vld [tilespmem:s15+$0x180];
	_ =	sdelay $0x1  }
0xc1: {  	v6 =	vld [tilespmem:s15+$0x200];
	_ =	sdelay $0x2  }
0xc2: {  	v53 =	vshll.u32 v5, $0x5  }
0xc3: {  	v5 =	vshll.u32 v5, $0x7;
	v7 =	vadd.s32 v0, v53  }
0xc4: {  	v5 =	vadd.s32 v4, v5;
	v7 =	vadd.s32 v6, v7;
	v6 =	vshll.u32 v6, $0x7  }
0xc5: {  	v6 =	vadd.s32 v4, v6;
	vm1 =	vlt.u32 v7, $0x108;
	v7 =	vshll.u32 v7, $0x7  }
0xc6: {  	v7 =	vadd.s32 v4, v7;
	_ =	sdelay $0x2  }
0xc7: {  	[tilespmem:v5+s11+$0x0] =	vst.idx.add.f32.msk vm0, v3  }
0xc8: {  	[tilespmem:v6+s11+$0x0] =	vst.idx.add.f32.msk vm0, v3  }
0xc9: {  	[tilespmem:v7+s11+$0x0] =	vst.idx.add.f32.msk vm1, v3  }
0xca: {  	v5 =	vld [tilespmem:s15+$0x280];
	_ =	sdelay $0x1  }
0xcb: {  	v6 =	vld [tilespmem:s15+$0x300];
	_ =	sdelay $0x2  }
0xcc: {  	v54 =	vshll.u32 v5, $0x5  }
0xcd: {  	v5 =	vshll.u32 v5, $0x7;
	v7 =	vadd.s32 v0, v54  }
0xce: {  	v5 =	vadd.s32 v4, v5;
	v7 =	vadd.s32 v6, v7;
	v6 =	vshll.u32 v6, $0x7  }
0xcf: {  	v6 =	vadd.s32 v4, v6;
	vm1 =	vlt.u32 v7, $0x108;
	v7 =	vshll.u32 v7, $0x7  }
0xd0: {  	v7 =	vadd.s32 v4, v7;
	_ =	sdelay $0x2  }
0xd1: {  	[tilespmem:v5+s11+$0x0] =	vst.idx.add.f32.msk vm0, v3  }
0xd2: {  	[tilespmem:v6+s11+$0x0] =	vst.idx.add.f32.msk vm0, v3  }
0xd3: {  	[tilespmem:v7+s11+$0x0] =	vst.idx.add.f32.msk vm1, v3  }
0xd4: {  	v5 =	vld [tilespmem:s15+$0x380];
	_ =	sdelay $0x1  }
0xd5: {  	v6 =	vld [tilespmem:s15+$0x400];
	_ =	sdelay $0x2  }
0xd6: {  	v55 =	vshll.u32 v5, $0x5  }
0xd7: {  	v5 =	vshll.u32 v5, $0x7;
	v7 =	vadd.s32 v0, v55  }
0xd8: {  	v5 =	vadd.s32 v4, v5;
	v7 =	vadd.s32 v6, v7;
	v6 =	vshll.u32 v6, $0x7  }
0xd9: {  	v6 =	vadd.s32 v4, v6;
	vm1 =	vlt.u32 v7, $0x108;
	v7 =	vshll.u32 v7, $0x7  }
0xda: {  	v7 =	vadd.s32 v4, v7;
	_ =	sdelay $0x2  }
0xdb: {  	[tilespmem:v5+s11+$0x0] =	vst.idx.add.f32.msk vm0, v3  }
0xdc: {  	[tilespmem:v6+s11+$0x0] =	vst.idx.add.f32.msk vm0, v3  }
0xdd: {  	[tilespmem:v7+s11+$0x0] =	vst.idx.add.f32.msk vm1, v3  }
0xde: {  	v5 =	vld [tilespmem:s15+$0x480];
	_ =	sdelay $0x1  }
0xdf: {  	v6 =	vld [tilespmem:s15+$0x500];
	_ =	sdelay $0x2  }
0xe0: {  	v56 =	vshll.u32 v5, $0x5  }
0xe1: {  	v5 =	vshll.u32 v5, $0x7;
	v7 =	vadd.s32 v0, v56  }
0xe2: {  	v5 =	vadd.s32 v4, v5;
	v7 =	vadd.s32 v6, v7;
	v6 =	vshll.u32 v6, $0x7  }
0xe3: {  	v6 =	vadd.s32 v4, v6;
	vm1 =	vlt.u32 v7, $0x108;
	v7 =	vshll.u32 v7, $0x7  }
0xe4: {  	v7 =	vadd.s32 v4, v7;
	_ =	sdelay $0x2  }
0xe5: {  	[tilespmem:v5+s11+$0x0] =	vst.idx.add.f32.msk vm0, v3  }
0xe6: {  	[tilespmem:v6+s11+$0x0] =	vst.idx.add.f32.msk vm0, v3  }
0xe7: {  	[tilespmem:v7+s11+$0x0] =	vst.idx.add.f32.msk vm1, v3  }
0xe8: {  	v5 =	vld [tilespmem:s15+$0x580];
	_ =	sdelay $0x1  }
0xe9: {  	v6 =	vld [tilespmem:s15+$0x600];
	_ =	sdelay $0x2  }
0xea: {  	v57 =	vshll.u32 v5, $0x5  }
0xeb: {  	v5 =	vshll.u32 v5, $0x7;
	v7 =	vadd.s32 v0, v57  }
0xec: {  	v5 =	vadd.s32 v4, v5;
	v7 =	vadd.s32 v6, v7;
	v6 =	vshll.u32 v6, $0x7  }
0xed: {  	v6 =	vadd.s32 v4, v6;
	vm1 =	vlt.u32 v7, $0x108;
	v7 =	vshll.u32 v7, $0x7  }
0xee: {  	v7 =	vadd.s32 v4, v7;
	_ =	sdelay $0x2  }
0xef: {  	[tilespmem:v5+s11+$0x0] =	vst.idx.add.f32.msk vm0, v3  }
0xf0: {  	[tilespmem:v6+s11+$0x0] =	vst.idx.add.f32.msk vm0, v3  }
0xf1: {  	[tilespmem:v7+s11+$0x0] =	vst.idx.add.f32.msk vm1, v3  }
0xf2: {  	v5 =	vld [tilespmem:s15+$0x680];
	_ =	sdelay $0x1  }
0xf3: {  	v6 =	vld [tilespmem:s15+$0x700];
	_ =	sdelay $0x2  }
0xf4: {  	v58 =	vshll.u32 v5, $0x5  }
0xf5: {  	v5 =	vshll.u32 v5, $0x7;
	v7 =	vadd.s32 v0, v58  }
0xf6: {  	v5 =	vadd.s32 v4, v5;
	v7 =	vadd.s32 v6, v7;
	v6 =	vshll.u32 v6, $0x7  }
0xf7: {  	v6 =	vadd.s32 v4, v6;
	vm1 =	vlt.u32 v7, $0x108;
	v7 =	vshll.u32 v7, $0x7  }
0xf8: {  	v7 =	vadd.s32 v4, v7;
	_ =	sdelay $0x2  }
0xf9: {  	[tilespmem:v5+s11+$0x0] =	vst.idx.add.f32.msk vm0, v3  }
0xfa: {  	[tilespmem:v6+s11+$0x0] =	vst.idx.add.f32.msk vm0, v3  }
0xfb: {  	[tilespmem:v7+s11+$0x0] =	vst.idx.add.f32.msk vm1, v3  }
0xfc: {  	v5 =	vld [tilespmem:s15+$0x780];
	_ =	sdelay $0x1  }
0xfd: {  	v6 =	vld [tilespmem:s15+$0x800];
	_ =	sdelay $0x2  }
0xfe: {  	v59 =	vshll.u32 v5, $0x5  }
0xff: {  	v5 =	vshll.u32 v5, $0x7;
	v7 =	vadd.s32 v0, v59  }
0x100: {  	v5 =	vadd.s32 v4, v5;
	v7 =	vadd.s32 v6, v7;
	v6 =	vshll.u32 v6, $0x7  }
0x101: {  	v6 =	vadd.s32 v4, v6;
	vm1 =	vlt.u32 v7, $0x108;
	v7 =	vshll.u32 v7, $0x7  }
0x102: {  	v7 =	vadd.s32 v4, v7;
	_ =	sdelay $0x2  }
0x103: {  	[tilespmem:v5+s11+$0x0] =	vst.idx.add.f32.msk vm0, v3  }
0x104: {  	[tilespmem:v6+s11+$0x0] =	vst.idx.add.f32.msk vm0, v3  }
0x105: {  	[tilespmem:v7+s11+$0x0] =	vst.idx.add.f32.msk vm1, v3  }
0x106: {  	v5 =	vld [tilespmem:s15+$0x880];
	_ =	sdelay $0x1  }
0x107: {  	v6 =	vld [tilespmem:s15+$0x900];
	_ =	sdelay $0x2  }
0x108: {  	v60 =	vshll.u32 v5, $0x5  }
0x109: {  	v5 =	vshll.u32 v5, $0x7;
	v7 =	vadd.s32 v0, v60  }
0x10a: {  	v5 =	vadd.s32 v4, v5;
	v7 =	vadd.s32 v6, v7;
	v6 =	vshll.u32 v6, $0x7  }
0x10b: {  	v6 =	vadd.s32 v4, v6;
	vm1 =	vlt.u32 v7, $0x108;
	v7 =	vshll.u32 v7, $0x7  }
0x10c: {  	v7 =	vadd.s32 v4, v7;
	_ =	sdelay $0x2  }
0x10d: {  	[tilespmem:v5+s11+$0x0] =	vst.idx.add.f32.msk vm0, v3  }
0x10e: {  	[tilespmem:v6+s11+$0x0] =	vst.idx.add.f32.msk vm0, v3  }
0x10f: {  	[tilespmem:v7+s11+$0x0] =	vst.idx.add.f32.msk vm1, v3  }
0x110: {  	v5 =	vld [tilespmem:s15+$0x980];
	_ =	sdelay $0x1  }
0x111: {  	v6 =	vld [tilespmem:s15+$0xA00];
	_ =	sdelay $0x2  }
0x112: {  	v61 =	vshll.u32 v5, $0x5  }
0x113: {  	v5 =	vshll.u32 v5, $0x7;
	v7 =	vadd.s32 v0, v61  }
0x114: {  	v5 =	vadd.s32 v4, v5;
	v7 =	vadd.s32 v6, v7;
	v6 =	vshll.u32 v6, $0x7  }
0x115: {  	v6 =	vadd.s32 v4, v6;
	vm1 =	vlt.u32 v7, $0x108;
	v7 =	vshll.u32 v7, $0x7  }
0x116: {  	v7 =	vadd.s32 v4, v7;
	_ =	sdelay $0x2  }
0x117: {  	[tilespmem:v5+s11+$0x0] =	vst.idx.add.f32.msk vm0, v3  }
0x118: {  	[tilespmem:v6+s11+$0x0] =	vst.idx.add.f32.msk vm0, v3  }
0x119: {  	[tilespmem:v7+s11+$0x0] =	vst.idx.add.f32.msk vm1, v3  }
0x11a: {  	v5 =	vld [tilespmem:s15+$0xA80];
	_ =	sdelay $0x1  }
0x11b: {  	v6 =	vld [tilespmem:s15+$0xB00];
	_ =	sdelay $0x2  }
0x11c: {  	v62 =	vshll.u32 v5, $0x5  }
0x11d: {  	v5 =	vshll.u32 v5, $0x7;
	v7 =	vadd.s32 v0, v62  }
0x11e: {  	v5 =	vadd.s32 v4, v5;
	v7 =	vadd.s32 v6, v7;
	v6 =	vshll.u32 v6, $0x7  }
0x11f: {  	v6 =	vadd.s32 v4, v6;
	vm1 =	vlt.u32 v7, $0x108;
	v7 =	vshll.u32 v7, $0x7  }
0x120: {  	v7 =	vadd.s32 v4, v7;
	_ =	sdelay $0x2  }
0x121: {  	[tilespmem:v5+s11+$0x0] =	vst.idx.add.f32.msk vm0, v3  }
0x122: {  	[tilespmem:v6+s11+$0x0] =	vst.idx.add.f32.msk vm0, v3  }
0x123: {  	[tilespmem:v7+s11+$0x0] =	vst.idx.add.f32.msk vm1, v3  }
0x124: {  	v5 =	vld [tilespmem:s15+$0xB80];
	_ =	sdelay $0x1  }
0x125: {  	v6 =	vld [tilespmem:s15+$0xC00];
	_ =	sdelay $0x2  }
0x126: {  	v63 =	vshll.u32 v5, $0x5  }
0x127: {  	v5 =	vshll.u32 v5, $0x7;
	v7 =	vadd.s32 v0, v63  }
0x128: {  	v5 =	vadd.s32 v4, v5;
	v7 =	vadd.s32 v6, v7;
	v6 =	vshll.u32 v6, $0x7  }
0x129: {  	v6 =	vadd.s32 v4, v6;
	vm1 =	vlt.u32 v7, $0x108;
	v7 =	vshll.u32 v7, $0x7  }
0x12a: {  	p0 =	sne.s32 s14, $0x70;
	v4 =	vadd.s32 v4, v7  }
.Ltmp1:
0x12b: {  	_ = 	snop;
	(pc) =	sbr.rel @p0 .LBB2_4-.Ltmp1, $4  }
0x12c: {  	_ = 	snop  }
0x12d: {  	[tilespmem:v5+s11+$0x0] =	vst.idx.add.f32.msk vm0, v3  }
0x12e: {  	[tilespmem:v6+s11+$0x0] =	vst.idx.add.f32.msk vm0, v3  }
0x12f: {  	s14 =	sadd.s32 $0x10, s14;
	s15 =	sadd.s32 $0x10, s15;
	[tilespmem:v4+s11+$0x0] =	vst.idx.add.f32.msk vm1, v3  }
0x130: {  	s13 =	sadd.s32 $0x1, s13  }
0x131: {  	p0 =	sne.s32 s13, s6  }
.Ltmp2:
0x132: {  	_ = 	snop;
	(pc) =	sbr.rel @p0 .LBB2_1-.Ltmp2, $4  }
0x133: {  	[hbm4b:s5+s7] =	stream.strided.scatter [tilespmem:s11], [sflag:$0x2], $0x8400, s8, s7, $0x38;
	[tilespmem:$0xA000] =	vst v63  }
0x134: {  	_ =	swait.ge [sflag:s12], $0x8400  }
0x135: {  	[sflag:s12] =	ssyncset.done $0x0  }
0x136: {  	[sflag:s12] =	ssyncadd.s32 $0xFFFF7C00  }
0x137: {  	_ =	sfence.sel $0x180000  }
0x138: {  	[bflag:$0x0] =	sbarrier.arrive $0xFFFF  }
0x139: {  	p0 =	sne.s32 s1, $0x0;
	_ =	strace $0x90000047  }
0x13a: {  	s0 =	sadd.s32 @!p0 $0x100000, s0;
	[bflag:$0x2] =	sbarrier.arrive $0xFFFF  }
0x13b: {  	[sflag:s0] =	ssyncadd.tile.s32 @!p0 $0x1;
	_ =	shalt  }
.Lfunc_end2:
_tile_overlayer_lowered:
.L_overlay_start_2:
0x13c: {  	(tag) =	ssettag $0x2  }
0x13d: {  	s0 =	rddreg [dreg:$0x0];
	s2 =	stileid.u32  }
0x13e: {  	s1 =	rddreg [dreg:$0x1];
	p0 =	sne.s32 s2, $0x0  }
0x13f: {  	s3 =	rddreg [dreg:$0x2];
	[bflag:$0x3] =	sbarrier.arrive $0xFFFF;
	s2 =	simm.s32 @!p0 $0x1C02  }
0x140: {  	[timem:s3], [sflag:s2] =	dma.local @!p0 [hbm:s0], s1  }
0x141: {  	s0 =	simm.s32 @!p0 $0x2  }
0x142: {  	_ =	swait.ge @!p0 [sflag:s0], s1  }
0x143: {  	s1 =	ssub.s32 @!p0 $0x0, s1;
	[sflag:s0] =	ssyncset.done @!p0 $0x0  }
0x144: {  	[sflag:s0] =	ssyncadd.s32 @!p0 s1  }
0x145: {  	[bflag:$0x3] =	sbarrier.arrive $0xFFFF  }
0x146: {  	_ =	shalt  }

</sc_bundles>
